<compile_context>
chip_gen: v7x
topology: tpu7x:2x2x1
jax: 0.10.2.dev20260603
libtpu: 0.0.44.dev20260713+nightly
codegen_flags: <defaults>
</compile_context>

<pallas_src>
import functools

import jax
import jax.numpy as jnp
from jax import lax
from jax.experimental import pallas as pl
from jax.experimental.pallas import tpu as pltpu
from jax.experimental.pallas import tpu_sc as plsc

D = 128
E = 320000
NC = 2
NS = 16
L = 16
NW = NC * NS
E_PER_W = E // NW
CHUNK = 80
N_CHUNKS = E_PER_W // CHUNK
GROUPS = CHUNK // L
D_UNROLL = 8



def _sc_body(z_hbm, src_hbm, dst_hbm, et_hbm, w_hbm, out_hbm,
             idx_s, idx_d, idx_r, out_v,
             rows_s0, rows_d0, rows_r0, rows_s1, rows_d1, rows_r1,
             sem_g0, sem_g1):
    c = lax.axis_index("c")
    s = lax.axis_index("s")
    wid = s * NC + c
    base_w = wid * E_PER_W

    pltpu.sync_copy(src_hbm.at[pl.ds(base_w, E_PER_W)], idx_s)
    pltpu.sync_copy(dst_hbm.at[pl.ds(base_w, E_PER_W)], idx_d)
    pltpu.sync_copy(et_hbm.at[pl.ds(base_w, E_PER_W)], idx_r)

    def start(i, rs, rd, rr, sem):
        off = i * CHUNK
        pltpu.async_copy(z_hbm.at[idx_s.at[pl.ds(off, CHUNK)]], rs, sem)
        pltpu.async_copy(z_hbm.at[idx_d.at[pl.ds(off, CHUNK)]], rd, sem)
        pltpu.async_copy(w_hbm.at[idx_r.at[pl.ds(off, CHUNK)]], rr, sem)

    def wait(rs, rd, rr, sem):
        pltpu.make_async_copy(z_hbm.at[idx_s.at[pl.ds(0, CHUNK)]], rs, sem).wait()
        pltpu.make_async_copy(z_hbm.at[idx_d.at[pl.ds(0, CHUNK)]], rd, sem).wait()
        pltpu.make_async_copy(w_hbm.at[idx_r.at[pl.ds(0, CHUNK)]], rr, sem).wait()

    def compute(i, rs, rd, rr):
        out_off = i * CHUNK

        def g_body(g, carry):
            erow = g * L + lax.iota(jnp.int32, L)
            lane = lax.iota(jnp.int32, L)

            def d_body(db, accs):
                a0, a1 = accs
                for k in range(D_UNROLL):
                    dcol = (lane + (db * D_UNROLL + k)) & (D - 1)
                    sv = plsc.load_gather(rs, [erow, dcol])
                    dv = plsc.load_gather(rd, [erow, dcol])
                    rv = plsc.load_gather(rr, [erow, dcol])
                    if k % 2 == 0:
                        a0 = a0 + sv * dv * rv
                    else:
                        a1 = a1 + sv * dv * rv
                return (a0, a1)

            zero = jnp.zeros((L,), jnp.float32)
            a0, a1 = lax.fori_loop(0, D // D_UNROLL, d_body, (zero, zero))
            acc = a0 + a1
            out_v[pl.ds(out_off + g * L, L)] = 1.0 / (1.0 + jnp.exp(-acc))
            return carry

        lax.fori_loop(0, GROUPS, g_body, 0)

    start(0, rows_s0, rows_d0, rows_r0, sem_g0)

    def pair_body(j, carry):
        i0 = 2 * j
        start(i0 + 1, rows_s1, rows_d1, rows_r1, sem_g1)
        wait(rows_s0, rows_d0, rows_r0, sem_g0)
        compute(i0, rows_s0, rows_d0, rows_r0)
        start(i0 + 2, rows_s0, rows_d0, rows_r0, sem_g0)
        wait(rows_s1, rows_d1, rows_r1, sem_g1)
        compute(i0 + 1, rows_s1, rows_d1, rows_r1)
        return carry

    lax.fori_loop(0, N_CHUNKS // 2, pair_body, 0)

    wait(rows_s0, rows_d0, rows_r0, sem_g0)
    compute(N_CHUNKS - 1, rows_s0, rows_d0, rows_r0)

    pltpu.sync_copy(out_v, out_hbm.at[pl.ds(base_w, E_PER_W)])


@jax.jit
def _sc_score(z, src, dst, et, weight):
    mesh = plsc.VectorSubcoreMesh(core_axis_name="c", subcore_axis_name="s",
                                  num_cores=NC, num_subcores=NS)
    f = pl.kernel(
        _sc_body,
        out_type=jax.ShapeDtypeStruct((E,), jnp.float32),
        mesh=mesh,
        scratch_types=[
            pltpu.VMEM((E_PER_W,), jnp.int32),
            pltpu.VMEM((E_PER_W,), jnp.int32),
            pltpu.VMEM((E_PER_W,), jnp.int32),
            pltpu.VMEM((E_PER_W,), jnp.float32),
            pltpu.VMEM((CHUNK, D), jnp.float32),
            pltpu.VMEM((CHUNK, D), jnp.float32),
            pltpu.VMEM((CHUNK, D), jnp.float32),
            pltpu.VMEM((CHUNK, D), jnp.float32),
            pltpu.VMEM((CHUNK, D), jnp.float32),
            pltpu.VMEM((CHUNK, D), jnp.float32),
            pltpu.SemaphoreType.DMA,
            pltpu.SemaphoreType.DMA,
        ],
        compiler_params=pltpu.CompilerParams(
            use_tc_tiling_on_sc=False,
            needs_layout_passes=False,
        ),
    )
    return f(z, src, dst, et, weight)


def kernel(z, edge_index, edge_type, weight):
    src = edge_index[0].astype(jnp.int32)
    dst = edge_index[1].astype(jnp.int32)
    et = edge_type.astype(jnp.int32)
    return _sc_score(z, src, dst, et, weight)

# --- scband reference (transcript-rebuilt; emitter-appended) ---
"""Pipeline reference for scband-grip-net-919123001608 (READ-ONLY COPY).

The authoritative reference and input builder live on the scoring server;
editing this copy changes nothing except your own understanding.
"""

import jax, jax.numpy as jnp
import numpy as np

IN_DIM = 128
NUM_ET = 1000
N_NODES = 10000
N_EDGES = 320000


def setup_inputs(seed: int = 0) -> dict:
    key = jax.random.key(seed)
    k1, k2, k3, k4 = jax.random.split(key, 4)
    z = jax.random.normal(k1, (N_NODES, IN_DIM), dtype=jnp.float32)
    edge_index = jax.random.randint(k2, (2, N_EDGES), 0, N_NODES, dtype=jnp.int64)
    edge_type = jax.random.randint(k3, (N_EDGES,), 0, NUM_ET, dtype=jnp.int64)
    # learned DistMult relation weight, init std = 1/sqrt(in_dim) as in reset_parameters
    weight = jax.random.normal(k4, (NUM_ET, IN_DIM), dtype=jnp.float32) * (1.0 / np.sqrt(IN_DIM))
    return {"z": z, "edge_index": edge_index, "edge_type": edge_type, "weight": weight}


def reference(z, edge_index, edge_type, weight):
    # DistMult decoder: score(e) = sigmoid( sum_d z[src,d] * z[dst,d] * W[rel,d] )
    src = jnp.take(z, edge_index[0], axis=0)
    dst = jnp.take(z, edge_index[1], axis=0)
    rel = jnp.take(weight, edge_type, axis=0)
    value = jnp.sum(src * dst * rel, axis=1)
    return jax.nn.sigmoid(value)

if __name__ == "__main__":
    import jax
    _d = setup_inputs()
    print(jax.jit(kernel)(*tuple(_d.values())))

</pallas_src>

<mosaic_0001>
#map = affine_map<(d0, d1) -> (0, 0)>
#map1 = affine_map<(d0, d1) -> (0)>
module attributes {stable_mosaic.version = 14 : i64} {
  func.func @_sc_body(%arg0: i32, %arg1: i32, %arg2: memref<10000x128xf32, #tpu.memory_space<hbm>>, %arg3: memref<320000xi32, #tpu.memory_space<hbm>>, %arg4: memref<320000xi32, #tpu.memory_space<hbm>>, %arg5: memref<320000xi32, #tpu.memory_space<hbm>>, %arg6: memref<1000x128xf32, #tpu.memory_space<hbm>>, %arg7: memref<320000xf32, #tpu.memory_space<hbm>>, %arg8: memref<10000xi32, #tpu.memory_space<vmem>>, %arg9: memref<10000xi32, #tpu.memory_space<vmem>>, %arg10: memref<10000xi32, #tpu.memory_space<vmem>>, %arg11: memref<10000xf32, #tpu.memory_space<vmem>>, %arg12: memref<80x128xf32, #tpu.memory_space<vmem>>, %arg13: memref<80x128xf32, #tpu.memory_space<vmem>>, %arg14: memref<80x128xf32, #tpu.memory_space<vmem>>, %arg15: memref<80x128xf32, #tpu.memory_space<vmem>>, %arg16: memref<80x128xf32, #tpu.memory_space<vmem>>, %arg17: memref<80x128xf32, #tpu.memory_space<vmem>>, %arg18: memref<!tpu.dma_semaphore, #tpu.memory_space<semaphore_mem>>, %arg19: memref<!tpu.dma_semaphore, #tpu.memory_space<semaphore_mem>>) attributes {dimension_semantics = [#tpu.dimension_semantics<core_parallel>, #tpu.dimension_semantics<subcore_parallel>], iteration_bounds = array<i64: 2, 16>, scalar_prefetch = 0 : i64, scratch_operands = 12 : i64, tpu.core_type = #tpu.core_type<sc_vector_subcore>, window_params = [{transform_indices = #map}, {transform_indices = #map1}, {transform_indices = #map1}, {transform_indices = #map1}, {transform_indices = #map}, {transform_indices = #map1}]} {
    %mul3A = arith.constant 2 : i32
    %mul3A_0 = arith.muli %arg1, %mul3A : i32
    %add3A = arith.addi %mul3A_0, %arg0 : i32
    %mul3A_1 = arith.constant 10000 : i32
    %mul3A_2 = arith.muli %add3A, %mul3A_1 : i32
    "tpu.region"() ({
      %run_scoped3A = tpu.sem_alloc : memref<!tpu.dma_semaphore, #tpu.memory_space<semaphore_mem>>
      %dma_start3A_42 = tpu.memref_slice %arg3[%mul3A_2] : memref<320000xi32, #tpu.memory_space<hbm>> -> memref<10000xi32, #tpu.memory_space<hbm>>
      %dma_start3A_43 = tpu.memref_slice %arg3[%mul3A_2] : memref<320000xi32, #tpu.memory_space<hbm>> -> memref<10000xi32, #tpu.memory_space<hbm>>
      tpu.enqueue_dma source(%dma_start3A_43 : memref<10000xi32, #tpu.memory_space<hbm>>) target(%arg8 : memref<10000xi32, #tpu.memory_space<vmem>>) target_semaphore(%run_scoped3A : memref<!tpu.dma_semaphore, #tpu.memory_space<semaphore_mem>>)
      %dma_wait3A_44 = tpu.memref_slice %arg3[%mul3A_2] : memref<320000xi32, #tpu.memory_space<hbm>> -> memref<10000xi32, #tpu.memory_space<hbm>>
      %dma_wait3A_45 = tpu.memref_slice %arg3[%mul3A_2] : memref<320000xi32, #tpu.memory_space<hbm>> -> memref<10000xi32, #tpu.memory_space<hbm>>
      tpu.wait_dma2 semaphore(%run_scoped3A : memref<!tpu.dma_semaphore, #tpu.memory_space<semaphore_mem>>) src(%dma_wait3A_45 : memref<10000xi32, #tpu.memory_space<hbm>>) dst(%arg8 : memref<10000xi32, #tpu.memory_space<vmem>>)
      tpu.yield
    }) : () -> ()
    "tpu.region"() ({
      %run_scoped3A = tpu.sem_alloc : memref<!tpu.dma_semaphore, #tpu.memory_space<semaphore_mem>>
      %dma_start3A_42 = tpu.memref_slice %arg4[%mul3A_2] : memref<320000xi32, #tpu.memory_space<hbm>> -> memref<10000xi32, #tpu.memory_space<hbm>>
      %dma_start3A_43 = tpu.memref_slice %arg4[%mul3A_2] : memref<320000xi32, #tpu.memory_space<hbm>> -> memref<10000xi32, #tpu.memory_space<hbm>>
      tpu.enqueue_dma source(%dma_start3A_43 : memref<10000xi32, #tpu.memory_space<hbm>>) target(%arg9 : memref<10000xi32, #tpu.memory_space<vmem>>) target_semaphore(%run_scoped3A : memref<!tpu.dma_semaphore, #tpu.memory_space<semaphore_mem>>)
      %dma_wait3A_44 = tpu.memref_slice %arg4[%mul3A_2] : memref<320000xi32, #tpu.memory_space<hbm>> -> memref<10000xi32, #tpu.memory_space<hbm>>
      %dma_wait3A_45 = tpu.memref_slice %arg4[%mul3A_2] : memref<320000xi32, #tpu.memory_space<hbm>> -> memref<10000xi32, #tpu.memory_space<hbm>>
      tpu.wait_dma2 semaphore(%run_scoped3A : memref<!tpu.dma_semaphore, #tpu.memory_space<semaphore_mem>>) src(%dma_wait3A_45 : memref<10000xi32, #tpu.memory_space<hbm>>) dst(%arg9 : memref<10000xi32, #tpu.memory_space<vmem>>)
      tpu.yield
    }) : () -> ()
    "tpu.region"() ({
      %run_scoped3A = tpu.sem_alloc : memref<!tpu.dma_semaphore, #tpu.memory_space<semaphore_mem>>
      %dma_start3A_42 = tpu.memref_slice %arg5[%mul3A_2] : memref<320000xi32, #tpu.memory_space<hbm>> -> memref<10000xi32, #tpu.memory_space<hbm>>
      %dma_start3A_43 = tpu.memref_slice %arg5[%mul3A_2] : memref<320000xi32, #tpu.memory_space<hbm>> -> memref<10000xi32, #tpu.memory_space<hbm>>
      tpu.enqueue_dma source(%dma_start3A_43 : memref<10000xi32, #tpu.memory_space<hbm>>) target(%arg10 : memref<10000xi32, #tpu.memory_space<vmem>>) target_semaphore(%run_scoped3A : memref<!tpu.dma_semaphore, #tpu.memory_space<semaphore_mem>>)
      %dma_wait3A_44 = tpu.memref_slice %arg5[%mul3A_2] : memref<320000xi32, #tpu.memory_space<hbm>> -> memref<10000xi32, #tpu.memory_space<hbm>>
      %dma_wait3A_45 = tpu.memref_slice %arg5[%mul3A_2] : memref<320000xi32, #tpu.memory_space<hbm>> -> memref<10000xi32, #tpu.memory_space<hbm>>
      tpu.wait_dma2 semaphore(%run_scoped3A : memref<!tpu.dma_semaphore, #tpu.memory_space<semaphore_mem>>) src(%dma_wait3A_45 : memref<10000xi32, #tpu.memory_space<hbm>>) dst(%arg10 : memref<10000xi32, #tpu.memory_space<vmem>>)
      tpu.yield
    }) : () -> ()
    %dma_start3A = arith.constant 0 : i32
    %dma_start3A_3 = tpu.memref_slice %arg8[%dma_start3A] : memref<10000xi32, #tpu.memory_space<vmem>> -> memref<80xi32, #tpu.memory_space<vmem>>
    %dma_start3A_4 = arith.constant 0 : i32
    %dma_start3A_5 = arith.constant 0 : i32
    %dma_start3A_6 = tpu.memref_slice %arg2[%dma_start3A_4, %dma_start3A_5] : memref<10000x128xf32, #tpu.memory_space<hbm>> -> memref<10000x128xf32, #tpu.memory_space<hbm>>
    tpu.enqueue_indirect_dma source(%dma_start3A_6 : memref<10000x128xf32, #tpu.memory_space<hbm>>) target(%arg12 : memref<80x128xf32, #tpu.memory_space<vmem>>) offsets(%dma_start3A_3 : memref<80xi32, #tpu.memory_space<vmem>>) semaphore(%arg18 : memref<!tpu.dma_semaphore, #tpu.memory_space<semaphore_mem>>)
    %dma_start3A_7 = arith.constant 0 : i32
    %dma_start3A_8 = tpu.memref_slice %arg9[%dma_start3A_7] : memref<10000xi32, #tpu.memory_space<vmem>> -> memref<80xi32, #tpu.memory_space<vmem>>
    %dma_start3A_9 = arith.constant 0 : i32
    %dma_start3A_10 = arith.constant 0 : i32
    %dma_start3A_11 = tpu.memref_slice %arg2[%dma_start3A_9, %dma_start3A_10] : memref<10000x128xf32, #tpu.memory_space<hbm>> -> memref<10000x128xf32, #tpu.memory_space<hbm>>
    tpu.enqueue_indirect_dma source(%dma_start3A_11 : memref<10000x128xf32, #tpu.memory_space<hbm>>) target(%arg13 : memref<80x128xf32, #tpu.memory_space<vmem>>) offsets(%dma_start3A_8 : memref<80xi32, #tpu.memory_space<vmem>>) semaphore(%arg18 : memref<!tpu.dma_semaphore, #tpu.memory_space<semaphore_mem>>)
    %dma_start3A_12 = arith.constant 0 : i32
    %dma_start3A_13 = tpu.memref_slice %arg10[%dma_start3A_12] : memref<10000xi32, #tpu.memory_space<vmem>> -> memref<80xi32, #tpu.memory_space<vmem>>
    %dma_start3A_14 = arith.constant 0 : i32
    %dma_start3A_15 = arith.constant 0 : i32
    %dma_start3A_16 = tpu.memref_slice %arg6[%dma_start3A_14, %dma_start3A_15] : memref<1000x128xf32, #tpu.memory_space<hbm>> -> memref<1000x128xf32, #tpu.memory_space<hbm>>
    tpu.enqueue_indirect_dma source(%dma_start3A_16 : memref<1000x128xf32, #tpu.memory_space<hbm>>) target(%arg14 : memref<80x128xf32, #tpu.memory_space<vmem>>) offsets(%dma_start3A_13 : memref<80xi32, #tpu.memory_space<vmem>>) semaphore(%arg18 : memref<!tpu.dma_semaphore, #tpu.memory_space<semaphore_mem>>)
    %scan3A = arith.constant 0 : i32
    %scan3A_17 = arith.constant 0 : i32
    %scan3A_18 = arith.constant 62 : i32
    %scan3A_19 = arith.addi %scan3A_17, %scan3A_18 : i32
    %scan3A_20 = arith.constant 1 : i32
    scf.for %scan3A_42 = %scan3A_17 to %scan3A_19 step %scan3A_20  : i32 {
      %mul3A_43 = arith.constant 2 : i32
      %mul3A_44 = arith.muli %mul3A_43, %scan3A_42 : i32
      %add3A_45 = arith.constant 1 : i32
      %add3A_46 = arith.addi %mul3A_44, %add3A_45 : i32
      %mul3A_47 = arith.constant 80 : i32
      %mul3A_48 = arith.muli %add3A_46, %mul3A_47 : i32
      %dma_start3A_49 = tpu.memref_slice %arg8[%mul3A_48] : memref<10000xi32, #tpu.memory_space<vmem>> -> memref<80xi32, #tpu.memory_space<vmem>>
      %dma_start3A_50 = arith.constant 0 : i32
      %dma_start3A_51 = arith.constant 0 : i32
      %dma_start3A_52 = tpu.memref_slice %arg2[%dma_start3A_50, %dma_start3A_51] : memref<10000x128xf32, #tpu.memory_space<hbm>> -> memref<10000x128xf32, #tpu.memory_space<hbm>>
      tpu.enqueue_indirect_dma source(%dma_start3A_52 : memref<10000x128xf32, #tpu.memory_space<hbm>>) target(%arg15 : memref<80x128xf32, #tpu.memory_space<vmem>>) offsets(%dma_start3A_49 : memref<80xi32, #tpu.memory_space<vmem>>) semaphore(%arg19 : memref<!tpu.dma_semaphore, #tpu.memory_space<semaphore_mem>>)
      %dma_start3A_53 = tpu.memref_slice %arg9[%mul3A_48] : memref<10000xi32, #tpu.memory_space<vmem>> -> memref<80xi32, #tpu.memory_space<vmem>>
      %dma_start3A_54 = arith.constant 0 : i32
      %dma_start3A_55 = arith.constant 0 : i32
      %dma_start3A_56 = tpu.memref_slice %arg2[%dma_start3A_54, %dma_start3A_55] : memref<10000x128xf32, #tpu.memory_space<hbm>> -> memref<10000x128xf32, #tpu.memory_space<hbm>>
      tpu.enqueue_indirect_dma source(%dma_start3A_56 : memref<10000x128xf32, #tpu.memory_space<hbm>>) target(%arg16 : memref<80x128xf32, #tpu.memory_space<vmem>>) offsets(%dma_start3A_53 : memref<80xi32, #tpu.memory_space<vmem>>) semaphore(%arg19 : memref<!tpu.dma_semaphore, #tpu.memory_space<semaphore_mem>>)
      %dma_start3A_57 = tpu.memref_slice %arg10[%mul3A_48] : memref<10000xi32, #tpu.memory_space<vmem>> -> memref<80xi32, #tpu.memory_space<vmem>>
      %dma_start3A_58 = arith.constant 0 : i32
      %dma_start3A_59 = arith.constant 0 : i32
      %dma_start3A_60 = tpu.memref_slice %arg6[%dma_start3A_58, %dma_start3A_59] : memref<1000x128xf32, #tpu.memory_space<hbm>> -> memref<1000x128xf32, #tpu.memory_space<hbm>>
      tpu.enqueue_indirect_dma source(%dma_start3A_60 : memref<1000x128xf32, #tpu.memory_space<hbm>>) target(%arg17 : memref<80x128xf32, #tpu.memory_space<vmem>>) offsets(%dma_start3A_57 : memref<80xi32, #tpu.memory_space<vmem>>) semaphore(%arg19 : memref<!tpu.dma_semaphore, #tpu.memory_space<semaphore_mem>>)
      %dma_wait3A_61 = arith.constant 0 : i32
      %dma_wait3A_62 = tpu.memref_slice %arg8[%dma_wait3A_61] : memref<10000xi32, #tpu.memory_space<vmem>> -> memref<80xi32, #tpu.memory_space<vmem>>
      %dma_wait3A_63 = arith.constant 0 : i32
      %dma_wait3A_64 = arith.constant 0 : i32
      %dma_wait3A_65 = tpu.memref_slice %arg2[%dma_wait3A_63, %dma_wait3A_64] : memref<10000x128xf32, #tpu.memory_space<hbm>> -> memref<10000x128xf32, #tpu.memory_space<hbm>>
      tpu.wait_indirect_dma semaphore(%arg18 : memref<!tpu.dma_semaphore, #tpu.memory_space<semaphore_mem>>) src(%dma_wait3A_65 : memref<10000x128xf32, #tpu.memory_space<hbm>>) dst(%arg12 : memref<80x128xf32, #tpu.memory_space<vmem>>)
      %dma_wait3A_66 = arith.constant 0 : i32
      %dma_wait3A_67 = tpu.memref_slice %arg9[%dma_wait3A_66] : memref<10000xi32, #tpu.memory_space<vmem>> -> memref<80xi32, #tpu.memory_space<vmem>>
      %dma_wait3A_68 = arith.constant 0 : i32
      %dma_wait3A_69 = arith.constant 0 : i32
      %dma_wait3A_70 = tpu.memref_slice %arg2[%dma_wait3A_68, %dma_wait3A_69] : memref<10000x128xf32, #tpu.memory_space<hbm>> -> memref<10000x128xf32, #tpu.memory_space<hbm>>
      tpu.wait_indirect_dma semaphore(%arg18 : memref<!tpu.dma_semaphore, #tpu.memory_space<semaphore_mem>>) src(%dma_wait3A_70 : memref<10000x128xf32, #tpu.memory_space<hbm>>) dst(%arg13 : memref<80x128xf32, #tpu.memory_space<vmem>>)
      %dma_wait3A_71 = arith.constant 0 : i32
      %dma_wait3A_72 = tpu.memref_slice %arg10[%dma_wait3A_71] : memref<10000xi32, #tpu.memory_space<vmem>> -> memref<80xi32, #tpu.memory_space<vmem>>
      %dma_wait3A_73 = arith.constant 0 : i32
      %dma_wait3A_74 = arith.constant 0 : i32
      %dma_wait3A_75 = tpu.memref_slice %arg6[%dma_wait3A_73, %dma_wait3A_74] : memref<1000x128xf32, #tpu.memory_space<hbm>> -> memref<1000x128xf32, #tpu.memory_space<hbm>>
      tpu.wait_indirect_dma semaphore(%arg18 : memref<!tpu.dma_semaphore, #tpu.memory_space<semaphore_mem>>) src(%dma_wait3A_75 : memref<1000x128xf32, #tpu.memory_space<hbm>>) dst(%arg14 : memref<80x128xf32, #tpu.memory_space<vmem>>)
      %mul3A_76 = arith.constant 80 : i32
      %mul3A_77 = arith.muli %mul3A_44, %mul3A_76 : i32
      %scan3A_78 = arith.constant 0 : i32
      %scan3A_79 = arith.constant 0 : i32
      %scan3A_80 = arith.constant 5 : i32
      %scan3A_81 = arith.addi %scan3A_79, %scan3A_80 : i32
      %scan3A_82 = arith.constant 1 : i32
      scf.for %scan3A_125 = %scan3A_79 to %scan3A_81 step %scan3A_82  : i32 {
        %mul3A_126 = arith.constant 16 : i32
        %mul3A_127 = arith.muli %scan3A_125, %mul3A_126 : i32
        %iota3A = tpu.iota {dimensions = array<i32: 0>} : vector<16xi32>
        %add3A_128 = vector.broadcast %mul3A_127 : i32 to vector<16xi32>
        %add3A_129 = arith.addi %add3A_128, %iota3A : vector<16xi32>
        %iota3A_130 = tpu.iota {dimensions = array<i32: 0>} : vector<16xi32>
        %broadcast_in_dim3A = arith.constant 0.000000e+00 : f32
        %broadcast_in_dim3A_131 = vector.broadcast %broadcast_in_dim3A : f32 to vector<16xf32>
        %scan3A_132 = arith.constant 0 : i32
        %scan3A_133 = arith.constant 16 : i32
        %scan3A_134 = arith.addi %scan3A_132, %scan3A_133 : i32
        %scan3A_135 = arith.constant 1 : i32
        %scan3A_136:2 = scf.for %scan3A_150 = %scan3A_132 to %scan3A_134 step %scan3A_135 iter_args(%scan3A_151 = %broadcast_in_dim3A_131, %scan3A_152 = %broadcast_in_dim3A_131) -> (vector<16xf32>, vector<16xf32>)  : i32 {
          %mul3A_153 = arith.constant 8 : i32
          %mul3A_154 = arith.muli %scan3A_150, %mul3A_153 : i32
          %add3A_155 = arith.constant 0 : i32
          %add3A_156 = arith.addi %mul3A_154, %add3A_155 : i32
          %add3A_157 = vector.broadcast %add3A_156 : i32 to vector<16xi32>
          %add3A_158 = arith.addi %iota3A_130, %add3A_157 : vector<16xi32>
          %and3A = arith.constant 127 : i32
          %and3A_159 = vector.broadcast %and3A : i32 to vector<16xi32>
          %and3A_160 = arith.andi %add3A_158, %and3A_159 : vector<16xi32>
          %gather3A = tpu.vector_load_idx %arg12[%add3A_129, %and3A_160] : memref<80x128xf32, #tpu.memory_space<vmem>>[vector<16xi32>, vector<16xi32>], vector<16xf32>,
          %gather3A_161 = tpu.vector_load_idx %arg13[%add3A_129, %and3A_160] : memref<80x128xf32, #tpu.memory_space<vmem>>[vector<16xi32>, vector<16xi32>], vector<16xf32>,
          %gather3A_162 = tpu.vector_load_idx %arg14[%add3A_129, %and3A_160] : memref<80x128xf32, #tpu.memory_space<vmem>>[vector<16xi32>, vector<16xi32>], vector<16xf32>,
          %mul3A_163 = arith.mulf %gather3A, %gather3A_161 : vector<16xf32>
          %mul3A_164 = arith.mulf %mul3A_163, %gather3A_162 : vector<16xf32>
          %add3A_165 = arith.addf %scan3A_151, %mul3A_164 : vector<16xf32>
          %mul3A_166 = arith.constant 8 : i32
          %mul3A_167 = arith.muli %scan3A_150, %mul3A_166 : i32
          %add3A_168 = arith.constant 1 : i32
          %add3A_169 = arith.addi %mul3A_167, %add3A_168 : i32
          %add3A_170 = vector.broadcast %add3A_169 : i32 to vector<16xi32>
          %add3A_171 = arith.addi %iota3A_130, %add3A_170 : vector<16xi32>
          %and3A_172 = arith.constant 127 : i32
          %and3A_173 = vector.broadcast %and3A_172 : i32 to vector<16xi32>
          %and3A_174 = arith.andi %add3A_171, %and3A_173 : vector<16xi32>
          %gather3A_175 = tpu.vector_load_idx %arg12[%add3A_129, %and3A_174] : memref<80x128xf32, #tpu.memory_space<vmem>>[vector<16xi32>, vector<16xi32>], vector<16xf32>,
          %gather3A_176 = tpu.vector_load_idx %arg13[%add3A_129, %and3A_174] : memref<80x128xf32, #tpu.memory_space<vmem>>[vector<16xi32>, vector<16xi32>], vector<16xf32>,
          %gather3A_177 = tpu.vector_load_idx %arg14[%add3A_129, %and3A_174] : memref<80x128xf32, #tpu.memory_space<vmem>>[vector<16xi32>, vector<16xi32>], vector<16xf32>,
          %mul3A_178 = arith.mulf %gather3A_175, %gather3A_176 : vector<16xf32>
          %mul3A_179 = arith.mulf %mul3A_178, %gather3A_177 : vector<16xf32>
          %add3A_180 = arith.addf %scan3A_152, %mul3A_179 : vector<16xf32>
          %mul3A_181 = arith.constant 8 : i32
          %mul3A_182 = arith.muli %scan3A_150, %mul3A_181 : i32
          %add3A_183 = arith.constant 2 : i32
          %add3A_184 = arith.addi %mul3A_182, %add3A_183 : i32
          %add3A_185 = vector.broadcast %add3A_184 : i32 to vector<16xi32>
          %add3A_186 = arith.addi %iota3A_130, %add3A_185 : vector<16xi32>
          %and3A_187 = arith.constant 127 : i32
          %and3A_188 = vector.broadcast %and3A_187 : i32 to vector<16xi32>
          %and3A_189 = arith.andi %add3A_186, %and3A_188 : vector<16xi32>
          %gather3A_190 = tpu.vector_load_idx %arg12[%add3A_129, %and3A_189] : memref<80x128xf32, #tpu.memory_space<vmem>>[vector<16xi32>, vector<16xi32>], vector<16xf32>,
          %gather3A_191 = tpu.vector_load_idx %arg13[%add3A_129, %and3A_189] : memref<80x128xf32, #tpu.memory_space<vmem>>[vector<16xi32>, vector<16xi32>], vector<16xf32>,
          %gather3A_192 = tpu.vector_load_idx %arg14[%add3A_129, %and3A_189] : memref<80x128xf32, #tpu.memory_space<vmem>>[vector<16xi32>, vector<16xi32>], vector<16xf32>,
          %mul3A_193 = arith.mulf %gather3A_190, %gather3A_191 : vector<16xf32>
          %mul3A_194 = arith.mulf %mul3A_193, %gather3A_192 : vector<16xf32>
          %add3A_195 = arith.addf %add3A_165, %mul3A_194 : vector<16xf32>
          %mul3A_196 = arith.constant 8 : i32
          %mul3A_197 = arith.muli %scan3A_150, %mul3A_196 : i32
          %add3A_198 = arith.constant 3 : i32
          %add3A_199 = arith.addi %mul3A_197, %add3A_198 : i32
          %add3A_200 = vector.broadcast %add3A_199 : i32 to vector<16xi32>
          %add3A_201 = arith.addi %iota3A_130, %add3A_200 : vector<16xi32>
          %and3A_202 = arith.constant 127 : i32
          %and3A_203 = vector.broadcast %and3A_202 : i32 to vector<16xi32>
          %and3A_204 = arith.andi %add3A_201, %and3A_203 : vector<16xi32>
          %gather3A_205 = tpu.vector_load_idx %arg12[%add3A_129, %and3A_204] : memref<80x128xf32, #tpu.memory_space<vmem>>[vector<16xi32>, vector<16xi32>], vector<16xf32>,
          %gather3A_206 = tpu.vector_load_idx %arg13[%add3A_129, %and3A_204] : memref<80x128xf32, #tpu.memory_space<vmem>>[vector<16xi32>, vector<16xi32>], vector<16xf32>,
          %gather3A_207 = tpu.vector_load_idx %arg14[%add3A_129, %and3A_204] : memref<80x128xf32, #tpu.memory_space<vmem>>[vector<16xi32>, vector<16xi32>], vector<16xf32>,
          %mul3A_208 = arith.mulf %gather3A_205, %gather3A_206 : vector<16xf32>
          %mul3A_209 = arith.mulf %mul3A_208, %gather3A_207 : vector<16xf32>
          %add3A_210 = arith.addf %add3A_180, %mul3A_209 : vector<16xf32>
          %mul3A_211 = arith.constant 8 : i32
          %mul3A_212 = arith.muli %scan3A_150, %mul3A_211 : i32
          %add3A_213 = arith.constant 4 : i32
          %add3A_214 = arith.addi %mul3A_212, %add3A_213 : i32
          %add3A_215 = vector.broadcast %add3A_214 : i32 to vector<16xi32>
          %add3A_216 = arith.addi %iota3A_130, %add3A_215 : vector<16xi32>
          %and3A_217 = arith.constant 127 : i32
          %and3A_218 = vector.broadcast %and3A_217 : i32 to vector<16xi32>
          %and3A_219 = arith.andi %add3A_216, %and3A_218 : vector<16xi32>
          %gather3A_220 = tpu.vector_load_idx %arg12[%add3A_129, %and3A_219] : memref<80x128xf32, #tpu.memory_space<vmem>>[vector<16xi32>, vector<16xi32>], vector<16xf32>,
          %gather3A_221 = tpu.vector_load_idx %arg13[%add3A_129, %and3A_219] : memref<80x128xf32, #tpu.memory_space<vmem>>[vector<16xi32>, vector<16xi32>], vector<16xf32>,
          %gather3A_222 = tpu.vector_load_idx %arg14[%add3A_129, %and3A_219] : memref<80x128xf32, #tpu.memory_space<vmem>>[vector<16xi32>, vector<16xi32>], vector<16xf32>,
          %mul3A_223 = arith.mulf %gather3A_220, %gather3A_221 : vector<16xf32>
          %mul3A_224 = arith.mulf %mul3A_223, %gather3A_222 : vector<16xf32>
          %add3A_225 = arith.addf %add3A_195, %mul3A_224 : vector<16xf32>
          %mul3A_226 = arith.constant 8 : i32
          %mul3A_227 = arith.muli %scan3A_150, %mul3A_226 : i32
          %add3A_228 = arith.constant 5 : i32
          %add3A_229 = arith.addi %mul3A_227, %add3A_228 : i32
          %add3A_230 = vector.broadcast %add3A_229 : i32 to vector<16xi32>
          %add3A_231 = arith.addi %iota3A_130, %add3A_230 : vector<16xi32>
          %and3A_232 = arith.constant 127 : i32
          %and3A_233 = vector.broadcast %and3A_232 : i32 to vector<16xi32>
          %and3A_234 = arith.andi %add3A_231, %and3A_233 : vector<16xi32>
          %gather3A_235 = tpu.vector_load_idx %arg12[%add3A_129, %and3A_234] : memref<80x128xf32, #tpu.memory_space<vmem>>[vector<16xi32>, vector<16xi32>], vector<16xf32>,
          %gather3A_236 = tpu.vector_load_idx %arg13[%add3A_129, %and3A_234] : memref<80x128xf32, #tpu.memory_space<vmem>>[vector<16xi32>, vector<16xi32>], vector<16xf32>,
          %gather3A_237 = tpu.vector_load_idx %arg14[%add3A_129, %and3A_234] : memref<80x128xf32, #tpu.memory_space<vmem>>[vector<16xi32>, vector<16xi32>], vector<16xf32>,
          %mul3A_238 = arith.mulf %gather3A_235, %gather3A_236 : vector<16xf32>
          %mul3A_239 = arith.mulf %mul3A_238, %gather3A_237 : vector<16xf32>
          %add3A_240 = arith.addf %add3A_210, %mul3A_239 : vector<16xf32>
          %mul3A_241 = arith.constant 8 : i32
          %mul3A_242 = arith.muli %scan3A_150, %mul3A_241 : i32
          %add3A_243 = arith.constant 6 : i32
          %add3A_244 = arith.addi %mul3A_242, %add3A_243 : i32
          %add3A_245 = vector.broadcast %add3A_244 : i32 to vector<16xi32>
          %add3A_246 = arith.addi %iota3A_130, %add3A_245 : vector<16xi32>
          %and3A_247 = arith.constant 127 : i32
          %and3A_248 = vector.broadcast %and3A_247 : i32 to vector<16xi32>
          %and3A_249 = arith.andi %add3A_246, %and3A_248 : vector<16xi32>
          %gather3A_250 = tpu.vector_load_idx %arg12[%add3A_129, %and3A_249] : memref<80x128xf32, #tpu.memory_space<vmem>>[vector<16xi32>, vector<16xi32>], vector<16xf32>,
          %gather3A_251 = tpu.vector_load_idx %arg13[%add3A_129, %and3A_249] : memref<80x128xf32, #tpu.memory_space<vmem>>[vector<16xi32>, vector<16xi32>], vector<16xf32>,
          %gather3A_252 = tpu.vector_load_idx %arg14[%add3A_129, %and3A_249] : memref<80x128xf32, #tpu.memory_space<vmem>>[vector<16xi32>, vector<16xi32>], vector<16xf32>,
          %mul3A_253 = arith.mulf %gather3A_250, %gather3A_251 : vector<16xf32>
          %mul3A_254 = arith.mulf %mul3A_253, %gather3A_252 : vector<16xf32>
          %add3A_255 = arith.addf %add3A_225, %mul3A_254 : vector<16xf32>
          %mul3A_256 = arith.constant 8 : i32
          %mul3A_257 = arith.muli %scan3A_150, %mul3A_256 : i32
          %add3A_258 = arith.constant 7 : i32
          %add3A_259 = arith.addi %mul3A_257, %add3A_258 : i32
          %add3A_260 = vector.broadcast %add3A_259 : i32 to vector<16xi32>
          %add3A_261 = arith.addi %iota3A_130, %add3A_260 : vector<16xi32>
          %and3A_262 = arith.constant 127 : i32
          %and3A_263 = vector.broadcast %and3A_262 : i32 to vector<16xi32>
          %and3A_264 = arith.andi %add3A_261, %and3A_263 : vector<16xi32>
          %gather3A_265 = tpu.vector_load_idx %arg12[%add3A_129, %and3A_264] : memref<80x128xf32, #tpu.memory_space<vmem>>[vector<16xi32>, vector<16xi32>], vector<16xf32>,
          %gather3A_266 = tpu.vector_load_idx %arg13[%add3A_129, %and3A_264] : memref<80x128xf32, #tpu.memory_space<vmem>>[vector<16xi32>, vector<16xi32>], vector<16xf32>,
          %gather3A_267 = tpu.vector_load_idx %arg14[%add3A_129, %and3A_264] : memref<80x128xf32, #tpu.memory_space<vmem>>[vector<16xi32>, vector<16xi32>], vector<16xf32>,
          %mul3A_268 = arith.mulf %gather3A_265, %gather3A_266 : vector<16xf32>
          %mul3A_269 = arith.mulf %mul3A_268, %gather3A_267 : vector<16xf32>
          %add3A_270 = arith.addf %add3A_240, %mul3A_269 : vector<16xf32>
          scf.yield %add3A_255, %add3A_270 : vector<16xf32>, vector<16xf32>
        }
        %scan3A_137 = arith.constant 16 : i32
        %add3A_138 = arith.addf %scan3A_136#0, %scan3A_136#1 : vector<16xf32>
        %neg3A = arith.constant 0.000000e+00 : f32
        %neg3A_139 = vector.broadcast %neg3A : f32 to vector<16xf32>
        %neg3A_140 = arith.subf %neg3A_139, %add3A_138 : vector<16xf32>
        %exp3A = math.exp %neg3A_140 : vector<16xf32>
        %add3A_141 = arith.constant 1.000000e+00 : f32
        %add3A_142 = vector.broadcast %add3A_141 : f32 to vector<16xf32>
        %add3A_143 = arith.addf %add3A_142, %exp3A : vector<16xf32>
        %div3A = arith.constant 1.000000e+00 : f32
        %div3A_144 = vector.broadcast %div3A : f32 to vector<16xf32>
        %div3A_145 = arith.divf %div3A_144, %add3A_143 : vector<16xf32>
        %mul3A_146 = arith.constant 16 : i32
        %mul3A_147 = arith.muli %scan3A_125, %mul3A_146 : i32
        %add3A_148 = arith.addi %mul3A_77, %mul3A_147 : i32
        %swap3A = arith.index_cast %add3A_148 : i32 to index
        %swap3A_149 = tpu.vector_load %arg11[%swap3A] {strides = array<i32>} : memref<10000xf32, #tpu.memory_space<vmem>>, vector<16xf32>,
        tpu.vector_store %arg11[%swap3A], %div3A_145 {strides = array<i32>} : memref<10000xf32, #tpu.memory_space<vmem>>, vector<16xf32>,
      }
      %scan3A_83 = arith.constant 5 : i32
      %add3A_84 = arith.constant 2 : i32
      %add3A_85 = arith.addi %mul3A_44, %add3A_84 : i32
      %mul3A_86 = arith.constant 80 : i32
      %mul3A_87 = arith.muli %add3A_85, %mul3A_86 : i32
      %dma_start3A_88 = tpu.memref_slice %arg8[%mul3A_87] : memref<10000xi32, #tpu.memory_space<vmem>> -> memref<80xi32, #tpu.memory_space<vmem>>
      %dma_start3A_89 = arith.constant 0 : i32
      %dma_start3A_90 = arith.constant 0 : i32
      %dma_start3A_91 = tpu.memref_slice %arg2[%dma_start3A_89, %dma_start3A_90] : memref<10000x128xf32, #tpu.memory_space<hbm>> -> memref<10000x128xf32, #tpu.memory_space<hbm>>
      tpu.enqueue_indirect_dma source(%dma_start3A_91 : memref<10000x128xf32, #tpu.memory_space<hbm>>) target(%arg12 : memref<80x128xf32, #tpu.memory_space<vmem>>) offsets(%dma_start3A_88 : memref<80xi32, #tpu.memory_space<vmem>>) semaphore(%arg18 : memref<!tpu.dma_semaphore, #tpu.memory_space<semaphore_mem>>)
      %dma_start3A_92 = tpu.memref_slice %arg9[%mul3A_87] : memref<10000xi32, #tpu.memory_space<vmem>> -> memref<80xi32, #tpu.memory_space<vmem>>
      %dma_start3A_93 = arith.constant 0 : i32
      %dma_start3A_94 = arith.constant 0 : i32
      %dma_start3A_95 = tpu.memref_slice %arg2[%dma_start3A_93, %dma_start3A_94] : memref<10000x128xf32, #tpu.memory_space<hbm>> -> memref<10000x128xf32, #tpu.memory_space<hbm>>
      tpu.enqueue_indirect_dma source(%dma_start3A_95 : memref<10000x128xf32, #tpu.memory_space<hbm>>) target(%arg13 : memref<80x128xf32, #tpu.memory_space<vmem>>) offsets(%dma_start3A_92 : memref<80xi32, #tpu.memory_space<vmem>>) semaphore(%arg18 : memref<!tpu.dma_semaphore, #tpu.memory_space<semaphore_mem>>)
      %dma_start3A_96 = tpu.memref_slice %arg10[%mul3A_87] : memref<10000xi32, #tpu.memory_space<vmem>> -> memref<80xi32, #tpu.memory_space<vmem>>
      %dma_start3A_97 = arith.constant 0 : i32
      %dma_start3A_98 = arith.constant 0 : i32
      %dma_start3A_99 = tpu.memref_slice %arg6[%dma_start3A_97, %dma_start3A_98] : memref<1000x128xf32, #tpu.memory_space<hbm>> -> memref<1000x128xf32, #tpu.memory_space<hbm>>
      tpu.enqueue_indirect_dma source(%dma_start3A_99 : memref<1000x128xf32, #tpu.memory_space<hbm>>) target(%arg14 : memref<80x128xf32, #tpu.memory_space<vmem>>) offsets(%dma_start3A_96 : memref<80xi32, #tpu.memory_space<vmem>>) semaphore(%arg18 : memref<!tpu.dma_semaphore, #tpu.memory_space<semaphore_mem>>)
      %dma_wait3A_100 = arith.constant 0 : i32
      %dma_wait3A_101 = tpu.memref_slice %arg8[%dma_wait3A_100] : memref<10000xi32, #tpu.memory_space<vmem>> -> memref<80xi32, #tpu.memory_space<vmem>>
      %dma_wait3A_102 = arith.constant 0 : i32
      %dma_wait3A_103 = arith.constant 0 : i32
      %dma_wait3A_104 = tpu.memref_slice %arg2[%dma_wait3A_102, %dma_wait3A_103] : memref<10000x128xf32, #tpu.memory_space<hbm>> -> memref<10000x128xf32, #tpu.memory_space<hbm>>
      tpu.wait_indirect_dma semaphore(%arg19 : memref<!tpu.dma_semaphore, #tpu.memory_space<semaphore_mem>>) src(%dma_wait3A_104 : memref<10000x128xf32, #tpu.memory_space<hbm>>) dst(%arg15 : memref<80x128xf32, #tpu.memory_space<vmem>>)
      %dma_wait3A_105 = arith.constant 0 : i32
      %dma_wait3A_106 = tpu.memref_slice %arg9[%dma_wait3A_105] : memref<10000xi32, #tpu.memory_space<vmem>> -> memref<80xi32, #tpu.memory_space<vmem>>
      %dma_wait3A_107 = arith.constant 0 : i32
      %dma_wait3A_108 = arith.constant 0 : i32
      %dma_wait3A_109 = tpu.memref_slice %arg2[%dma_wait3A_107, %dma_wait3A_108] : memref<10000x128xf32, #tpu.memory_space<hbm>> -> memref<10000x128xf32, #tpu.memory_space<hbm>>
      tpu.wait_indirect_dma semaphore(%arg19 : memref<!tpu.dma_semaphore, #tpu.memory_space<semaphore_mem>>) src(%dma_wait3A_109 : memref<10000x128xf32, #tpu.memory_space<hbm>>) dst(%arg16 : memref<80x128xf32, #tpu.memory_space<vmem>>)
      %dma_wait3A_110 = arith.constant 0 : i32
      %dma_wait3A_111 = tpu.memref_slice %arg10[%dma_wait3A_110] : memref<10000xi32, #tpu.memory_space<vmem>> -> memref<80xi32, #tpu.memory_space<vmem>>
      %dma_wait3A_112 = arith.constant 0 : i32
      %dma_wait3A_113 = arith.constant 0 : i32
      %dma_wait3A_114 = tpu.memref_slice %arg6[%dma_wait3A_112, %dma_wait3A_113] : memref<1000x128xf32, #tpu.memory_space<hbm>> -> memref<1000x128xf32, #tpu.memory_space<hbm>>
      tpu.wait_indirect_dma semaphore(%arg19 : memref<!tpu.dma_semaphore, #tpu.memory_space<semaphore_mem>>) src(%dma_wait3A_114 : memref<1000x128xf32, #tpu.memory_space<hbm>>) dst(%arg17 : memref<80x128xf32, #tpu.memory_space<vmem>>)
      %add3A_115 = arith.constant 1 : i32
      %add3A_116 = arith.addi %mul3A_44, %add3A_115 : i32
      %mul3A_117 = arith.constant 80 : i32
      %mul3A_118 = arith.muli %add3A_116, %mul3A_117 : i32
      %scan3A_119 = arith.constant 0 : i32
      %scan3A_120 = arith.constant 0 : i32
      %scan3A_121 = arith.constant 5 : i32
      %scan3A_122 = arith.addi %scan3A_120, %scan3A_121 : i32
      %scan3A_123 = arith.constant 1 : i32
      scf.for %scan3A_125 = %scan3A_120 to %scan3A_122 step %scan3A_123  : i32 {
        %mul3A_126 = arith.constant 16 : i32
        %mul3A_127 = arith.muli %scan3A_125, %mul3A_126 : i32
        %iota3A = tpu.iota {dimensions = array<i32: 0>} : vector<16xi32>
        %add3A_128 = vector.broadcast %mul3A_127 : i32 to vector<16xi32>
        %add3A_129 = arith.addi %add3A_128, %iota3A : vector<16xi32>
        %iota3A_130 = tpu.iota {dimensions = array<i32: 0>} : vector<16xi32>
        %broadcast_in_dim3A = arith.constant 0.000000e+00 : f32
        %broadcast_in_dim3A_131 = vector.broadcast %broadcast_in_dim3A : f32 to vector<16xf32>
        %scan3A_132 = arith.constant 0 : i32
        %scan3A_133 = arith.constant 16 : i32
        %scan3A_134 = arith.addi %scan3A_132, %scan3A_133 : i32
        %scan3A_135 = arith.constant 1 : i32
        %scan3A_136:2 = scf.for %scan3A_150 = %scan3A_132 to %scan3A_134 step %scan3A_135 iter_args(%scan3A_151 = %broadcast_in_dim3A_131, %scan3A_152 = %broadcast_in_dim3A_131) -> (vector<16xf32>, vector<16xf32>)  : i32 {
          %mul3A_153 = arith.constant 8 : i32
          %mul3A_154 = arith.muli %scan3A_150, %mul3A_153 : i32
          %add3A_155 = arith.constant 0 : i32
          %add3A_156 = arith.addi %mul3A_154, %add3A_155 : i32
          %add3A_157 = vector.broadcast %add3A_156 : i32 to vector<16xi32>
          %add3A_158 = arith.addi %iota3A_130, %add3A_157 : vector<16xi32>
          %and3A = arith.constant 127 : i32
          %and3A_159 = vector.broadcast %and3A : i32 to vector<16xi32>
          %and3A_160 = arith.andi %add3A_158, %and3A_159 : vector<16xi32>
          %gather3A = tpu.vector_load_idx %arg15[%add3A_129, %and3A_160] : memref<80x128xf32, #tpu.memory_space<vmem>>[vector<16xi32>, vector<16xi32>], vector<16xf32>,
          %gather3A_161 = tpu.vector_load_idx %arg16[%add3A_129, %and3A_160] : memref<80x128xf32, #tpu.memory_space<vmem>>[vector<16xi32>, vector<16xi32>], vector<16xf32>,
          %gather3A_162 = tpu.vector_load_idx %arg17[%add3A_129, %and3A_160] : memref<80x128xf32, #tpu.memory_space<vmem>>[vector<16xi32>, vector<16xi32>], vector<16xf32>,
          %mul3A_163 = arith.mulf %gather3A, %gather3A_161 : vector<16xf32>
          %mul3A_164 = arith.mulf %mul3A_163, %gather3A_162 : vector<16xf32>
          %add3A_165 = arith.addf %scan3A_151, %mul3A_164 : vector<16xf32>
          %mul3A_166 = arith.constant 8 : i32
          %mul3A_167 = arith.muli %scan3A_150, %mul3A_166 : i32
          %add3A_168 = arith.constant 1 : i32
          %add3A_169 = arith.addi %mul3A_167, %add3A_168 : i32
          %add3A_170 = vector.broadcast %add3A_169 : i32 to vector<16xi32>
          %add3A_171 = arith.addi %iota3A_130, %add3A_170 : vector<16xi32>
          %and3A_172 = arith.constant 127 : i32
          %and3A_173 = vector.broadcast %and3A_172 : i32 to vector<16xi32>
          %and3A_174 = arith.andi %add3A_171, %and3A_173 : vector<16xi32>
          %gather3A_175 = tpu.vector_load_idx %arg15[%add3A_129, %and3A_174] : memref<80x128xf32, #tpu.memory_space<vmem>>[vector<16xi32>, vector<16xi32>], vector<16xf32>,
          %gather3A_176 = tpu.vector_load_idx %arg16[%add3A_129, %and3A_174] : memref<80x128xf32, #tpu.memory_space<vmem>>[vector<16xi32>, vector<16xi32>], vector<16xf32>,
          %gather3A_177 = tpu.vector_load_idx %arg17[%add3A_129, %and3A_174] : memref<80x128xf32, #tpu.memory_space<vmem>>[vector<16xi32>, vector<16xi32>], vector<16xf32>,
          %mul3A_178 = arith.mulf %gather3A_175, %gather3A_176 : vector<16xf32>
          %mul3A_179 = arith.mulf %mul3A_178, %gather3A_177 : vector<16xf32>
          %add3A_180 = arith.addf %scan3A_152, %mul3A_179 : vector<16xf32>
          %mul3A_181 = arith.constant 8 : i32
          %mul3A_182 = arith.muli %scan3A_150, %mul3A_181 : i32
          %add3A_183 = arith.constant 2 : i32
          %add3A_184 = arith.addi %mul3A_182, %add3A_183 : i32
          %add3A_185 = vector.broadcast %add3A_184 : i32 to vector<16xi32>
          %add3A_186 = arith.addi %iota3A_130, %add3A_185 : vector<16xi32>
          %and3A_187 = arith.constant 127 : i32
          %and3A_188 = vector.broadcast %and3A_187 : i32 to vector<16xi32>
          %and3A_189 = arith.andi %add3A_186, %and3A_188 : vector<16xi32>
          %gather3A_190 = tpu.vector_load_idx %arg15[%add3A_129, %and3A_189] : memref<80x128xf32, #tpu.memory_space<vmem>>[vector<16xi32>, vector<16xi32>], vector<16xf32>,
          %gather3A_191 = tpu.vector_load_idx %arg16[%add3A_129, %and3A_189] : memref<80x128xf32, #tpu.memory_space<vmem>>[vector<16xi32>, vector<16xi32>], vector<16xf32>,
          %gather3A_192 = tpu.vector_load_idx %arg17[%add3A_129, %and3A_189] : memref<80x128xf32, #tpu.memory_space<vmem>>[vector<16xi32>, vector<16xi32>], vector<16xf32>,
          %mul3A_193 = arith.mulf %gather3A_190, %gather3A_191 : vector<16xf32>
          %mul3A_194 = arith.mulf %mul3A_193, %gather3A_192 : vector<16xf32>
          %add3A_195 = arith.addf %add3A_165, %mul3A_194 : vector<16xf32>
          %mul3A_196 = arith.constant 8 : i32
          %mul3A_197 = arith.muli %scan3A_150, %mul3A_196 : i32
          %add3A_198 = arith.constant 3 : i32
          %add3A_199 = arith.addi %mul3A_197, %add3A_198 : i32
          %add3A_200 = vector.broadcast %add3A_199 : i32 to vector<16xi32>
          %add3A_201 = arith.addi %iota3A_130, %add3A_200 : vector<16xi32>
          %and3A_202 = arith.constant 127 : i32
          %and3A_203 = vector.broadcast %and3A_202 : i32 to vector<16xi32>
          %and3A_204 = arith.andi %add3A_201, %and3A_203 : vector<16xi32>
          %gather3A_205 = tpu.vector_load_idx %arg15[%add3A_129, %and3A_204] : memref<80x128xf32, #tpu.memory_space<vmem>>[vector<16xi32>, vector<16xi32>], vector<16xf32>,
          %gather3A_206 = tpu.vector_load_idx %arg16[%add3A_129, %and3A_204] : memref<80x128xf32, #tpu.memory_space<vmem>>[vector<16xi32>, vector<16xi32>], vector<16xf32>,
          %gather3A_207 = tpu.vector_load_idx %arg17[%add3A_129, %and3A_204] : memref<80x128xf32, #tpu.memory_space<vmem>>[vector<16xi32>, vector<16xi32>], vector<16xf32>,
          %mul3A_208 = arith.mulf %gather3A_205, %gather3A_206 : vector<16xf32>
          %mul3A_209 = arith.mulf %mul3A_208, %gather3A_207 : vector<16xf32>
          %add3A_210 = arith.addf %add3A_180, %mul3A_209 : vector<16xf32>
          %mul3A_211 = arith.constant 8 : i32
          %mul3A_212 = arith.muli %scan3A_150, %mul3A_211 : i32
          %add3A_213 = arith.constant 4 : i32
          %add3A_214 = arith.addi %mul3A_212, %add3A_213 : i32
          %add3A_215 = vector.broadcast %add3A_214 : i32 to vector<16xi32>
          %add3A_216 = arith.addi %iota3A_130, %add3A_215 : vector<16xi32>
          %and3A_217 = arith.constant 127 : i32
          %and3A_218 = vector.broadcast %and3A_217 : i32 to vector<16xi32>
          %and3A_219 = arith.andi %add3A_216, %and3A_218 : vector<16xi32>
          %gather3A_220 = tpu.vector_load_idx %arg15[%add3A_129, %and3A_219] : memref<80x128xf32, #tpu.memory_space<vmem>>[vector<16xi32>, vector<16xi32>], vector<16xf32>,
          %gather3A_221 = tpu.vector_load_idx %arg16[%add3A_129, %and3A_219] : memref<80x128xf32, #tpu.memory_space<vmem>>[vector<16xi32>, vector<16xi32>], vector<16xf32>,
          %gather3A_222 = tpu.vector_load_idx %arg17[%add3A_129, %and3A_219] : memref<80x128xf32, #tpu.memory_space<vmem>>[vector<16xi32>, vector<16xi32>], vector<16xf32>,
          %mul3A_223 = arith.mulf %gather3A_220, %gather3A_221 : vector<16xf32>
          %mul3A_224 = arith.mulf %mul3A_223, %gather3A_222 : vector<16xf32>
          %add3A_225 = arith.addf %add3A_195, %mul3A_224 : vector<16xf32>
          %mul3A_226 = arith.constant 8 : i32
          %mul3A_227 = arith.muli %scan3A_150, %mul3A_226 : i32
          %add3A_228 = arith.constant 5 : i32
          %add3A_229 = arith.addi %mul3A_227, %add3A_228 : i32
          %add3A_230 = vector.broadcast %add3A_229 : i32 to vector<16xi32>
          %add3A_231 = arith.addi %iota3A_130, %add3A_230 : vector<16xi32>
          %and3A_232 = arith.constant 127 : i32
          %and3A_233 = vector.broadcast %and3A_232 : i32 to vector<16xi32>
          %and3A_234 = arith.andi %add3A_231, %and3A_233 : vector<16xi32>
          %gather3A_235 = tpu.vector_load_idx %arg15[%add3A_129, %and3A_234] : memref<80x128xf32, #tpu.memory_space<vmem>>[vector<16xi32>, vector<16xi32>], vector<16xf32>,
          %gather3A_236 = tpu.vector_load_idx %arg16[%add3A_129, %and3A_234] : memref<80x128xf32, #tpu.memory_space<vmem>>[vector<16xi32>, vector<16xi32>], vector<16xf32>,
          %gather3A_237 = tpu.vector_load_idx %arg17[%add3A_129, %and3A_234] : memref<80x128xf32, #tpu.memory_space<vmem>>[vector<16xi32>, vector<16xi32>], vector<16xf32>,
          %mul3A_238 = arith.mulf %gather3A_235, %gather3A_236 : vector<16xf32>
          %mul3A_239 = arith.mulf %mul3A_238, %gather3A_237 : vector<16xf32>
          %add3A_240 = arith.addf %add3A_210, %mul3A_239 : vector<16xf32>
          %mul3A_241 = arith.constant 8 : i32
          %mul3A_242 = arith.muli %scan3A_150, %mul3A_241 : i32
          %add3A_243 = arith.constant 6 : i32
          %add3A_244 = arith.addi %mul3A_242, %add3A_243 : i32
          %add3A_245 = vector.broadcast %add3A_244 : i32 to vector<16xi32>
          %add3A_246 = arith.addi %iota3A_130, %add3A_245 : vector<16xi32>
          %and3A_247 = arith.constant 127 : i32
          %and3A_248 = vector.broadcast %and3A_247 : i32 to vector<16xi32>
          %and3A_249 = arith.andi %add3A_246, %and3A_248 : vector<16xi32>
          %gather3A_250 = tpu.vector_load_idx %arg15[%add3A_129, %and3A_249] : memref<80x128xf32, #tpu.memory_space<vmem>>[vector<16xi32>, vector<16xi32>], vector<16xf32>,
          %gather3A_251 = tpu.vector_load_idx %arg16[%add3A_129, %and3A_249] : memref<80x128xf32, #tpu.memory_space<vmem>>[vector<16xi32>, vector<16xi32>], vector<16xf32>,
          %gather3A_252 = tpu.vector_load_idx %arg17[%add3A_129, %and3A_249] : memref<80x128xf32, #tpu.memory_space<vmem>>[vector<16xi32>, vector<16xi32>], vector<16xf32>,
          %mul3A_253 = arith.mulf %gather3A_250, %gather3A_251 : vector<16xf32>
          %mul3A_254 = arith.mulf %mul3A_253, %gather3A_252 : vector<16xf32>
          %add3A_255 = arith.addf %add3A_225, %mul3A_254 : vector<16xf32>
          %mul3A_256 = arith.constant 8 : i32
          %mul3A_257 = arith.muli %scan3A_150, %mul3A_256 : i32
          %add3A_258 = arith.constant 7 : i32
          %add3A_259 = arith.addi %mul3A_257, %add3A_258 : i32
          %add3A_260 = vector.broadcast %add3A_259 : i32 to vector<16xi32>
          %add3A_261 = arith.addi %iota3A_130, %add3A_260 : vector<16xi32>
          %and3A_262 = arith.constant 127 : i32
          %and3A_263 = vector.broadcast %and3A_262 : i32 to vector<16xi32>
          %and3A_264 = arith.andi %add3A_261, %and3A_263 : vector<16xi32>
          %gather3A_265 = tpu.vector_load_idx %arg15[%add3A_129, %and3A_264] : memref<80x128xf32, #tpu.memory_space<vmem>>[vector<16xi32>, vector<16xi32>], vector<16xf32>,
          %gather3A_266 = tpu.vector_load_idx %arg16[%add3A_129, %and3A_264] : memref<80x128xf32, #tpu.memory_space<vmem>>[vector<16xi32>, vector<16xi32>], vector<16xf32>,
          %gather3A_267 = tpu.vector_load_idx %arg17[%add3A_129, %and3A_264] : memref<80x128xf32, #tpu.memory_space<vmem>>[vector<16xi32>, vector<16xi32>], vector<16xf32>,
          %mul3A_268 = arith.mulf %gather3A_265, %gather3A_266 : vector<16xf32>
          %mul3A_269 = arith.mulf %mul3A_268, %gather3A_267 : vector<16xf32>
          %add3A_270 = arith.addf %add3A_240, %mul3A_269 : vector<16xf32>
          scf.yield %add3A_255, %add3A_270 : vector<16xf32>, vector<16xf32>
        }
        %scan3A_137 = arith.constant 16 : i32
        %add3A_138 = arith.addf %scan3A_136#0, %scan3A_136#1 : vector<16xf32>
        %neg3A = arith.constant 0.000000e+00 : f32
        %neg3A_139 = vector.broadcast %neg3A : f32 to vector<16xf32>
        %neg3A_140 = arith.subf %neg3A_139, %add3A_138 : vector<16xf32>
        %exp3A = math.exp %neg3A_140 : vector<16xf32>
        %add3A_141 = arith.constant 1.000000e+00 : f32
        %add3A_142 = vector.broadcast %add3A_141 : f32 to vector<16xf32>
        %add3A_143 = arith.addf %add3A_142, %exp3A : vector<16xf32>
        %div3A = arith.constant 1.000000e+00 : f32
        %div3A_144 = vector.broadcast %div3A : f32 to vector<16xf32>
        %div3A_145 = arith.divf %div3A_144, %add3A_143 : vector<16xf32>
        %mul3A_146 = arith.constant 16 : i32
        %mul3A_147 = arith.muli %scan3A_125, %mul3A_146 : i32
        %add3A_148 = arith.addi %mul3A_118, %mul3A_147 : i32
        %swap3A = arith.index_cast %add3A_148 : i32 to index
        %swap3A_149 = tpu.vector_load %arg11[%swap3A] {strides = array<i32>} : memref<10000xf32, #tpu.memory_space<vmem>>, vector<16xf32>,
        tpu.vector_store %arg11[%swap3A], %div3A_145 {strides = array<i32>} : memref<10000xf32, #tpu.memory_space<vmem>>, vector<16xf32>,
      }
      %scan3A_124 = arith.constant 5 : i32
    }
    %scan3A_21 = arith.constant 62 : i32
    %dma_wait3A = arith.constant 0 : i32
    %dma_wait3A_22 = tpu.memref_slice %arg8[%dma_wait3A] : memref<10000xi32, #tpu.memory_space<vmem>> -> memref<80xi32, #tpu.memory_space<vmem>>
    %dma_wait3A_23 = arith.constant 0 : i32
    %dma_wait3A_24 = arith.constant 0 : i32
    %dma_wait3A_25 = tpu.memref_slice %arg2[%dma_wait3A_23, %dma_wait3A_24] : memref<10000x128xf32, #tpu.memory_space<hbm>> -> memref<10000x128xf32, #tpu.memory_space<hbm>>
    tpu.wait_indirect_dma semaphore(%arg18 : memref<!tpu.dma_semaphore, #tpu.memory_space<semaphore_mem>>) src(%dma_wait3A_25 : memref<10000x128xf32, #tpu.memory_space<hbm>>) dst(%arg12 : memref<80x128xf32, #tpu.memory_space<vmem>>)
    %dma_wait3A_26 = arith.constant 0 : i32
    %dma_wait3A_27 = tpu.memref_slice %arg9[%dma_wait3A_26] : memref<10000xi32, #tpu.memory_space<vmem>> -> memref<80xi32, #tpu.memory_space<vmem>>
    %dma_wait3A_28 = arith.constant 0 : i32
    %dma_wait3A_29 = arith.constant 0 : i32
    %dma_wait3A_30 = tpu.memref_slice %arg2[%dma_wait3A_28, %dma_wait3A_29] : memref<10000x128xf32, #tpu.memory_space<hbm>> -> memref<10000x128xf32, #tpu.memory_space<hbm>>
    tpu.wait_indirect_dma semaphore(%arg18 : memref<!tpu.dma_semaphore, #tpu.memory_space<semaphore_mem>>) src(%dma_wait3A_30 : memref<10000x128xf32, #tpu.memory_space<hbm>>) dst(%arg13 : memref<80x128xf32, #tpu.memory_space<vmem>>)
    %dma_wait3A_31 = arith.constant 0 : i32
    %dma_wait3A_32 = tpu.memref_slice %arg10[%dma_wait3A_31] : memref<10000xi32, #tpu.memory_space<vmem>> -> memref<80xi32, #tpu.memory_space<vmem>>
    %dma_wait3A_33 = arith.constant 0 : i32
    %dma_wait3A_34 = arith.constant 0 : i32
    %dma_wait3A_35 = tpu.memref_slice %arg6[%dma_wait3A_33, %dma_wait3A_34] : memref<1000x128xf32, #tpu.memory_space<hbm>> -> memref<1000x128xf32, #tpu.memory_space<hbm>>
    tpu.wait_indirect_dma semaphore(%arg18 : memref<!tpu.dma_semaphore, #tpu.memory_space<semaphore_mem>>) src(%dma_wait3A_35 : memref<1000x128xf32, #tpu.memory_space<hbm>>) dst(%arg14 : memref<80x128xf32, #tpu.memory_space<vmem>>)
    %scan3A_36 = arith.constant 0 : i32
    %scan3A_37 = arith.constant 0 : i32
    %scan3A_38 = arith.constant 5 : i32
    %scan3A_39 = arith.addi %scan3A_37, %scan3A_38 : i32
    %scan3A_40 = arith.constant 1 : i32
    scf.for %scan3A_42 = %scan3A_37 to %scan3A_39 step %scan3A_40  : i32 {
      %mul3A_43 = arith.constant 16 : i32
      %mul3A_44 = arith.muli %scan3A_42, %mul3A_43 : i32
      %iota3A = tpu.iota {dimensions = array<i32: 0>} : vector<16xi32>
      %add3A_45 = vector.broadcast %mul3A_44 : i32 to vector<16xi32>
      %add3A_46 = arith.addi %add3A_45, %iota3A : vector<16xi32>
      %iota3A_47 = tpu.iota {dimensions = array<i32: 0>} : vector<16xi32>
      %broadcast_in_dim3A = arith.constant 0.000000e+00 : f32
      %broadcast_in_dim3A_48 = vector.broadcast %broadcast_in_dim3A : f32 to vector<16xf32>
      %scan3A_49 = arith.constant 0 : i32
      %scan3A_50 = arith.constant 16 : i32
      %scan3A_51 = arith.addi %scan3A_49, %scan3A_50 : i32
      %scan3A_52 = arith.constant 1 : i32
      %scan3A_53:2 = scf.for %scan3A_68 = %scan3A_49 to %scan3A_51 step %scan3A_52 iter_args(%scan3A_69 = %broadcast_in_dim3A_48, %scan3A_70 = %broadcast_in_dim3A_48) -> (vector<16xf32>, vector<16xf32>)  : i32 {
        %mul3A_71 = arith.constant 8 : i32
        %mul3A_72 = arith.muli %scan3A_68, %mul3A_71 : i32
        %add3A_73 = arith.constant 0 : i32
        %add3A_74 = arith.addi %mul3A_72, %add3A_73 : i32
        %add3A_75 = vector.broadcast %add3A_74 : i32 to vector<16xi32>
        %add3A_76 = arith.addi %iota3A_47, %add3A_75 : vector<16xi32>
        %and3A = arith.constant 127 : i32
        %and3A_77 = vector.broadcast %and3A : i32 to vector<16xi32>
        %and3A_78 = arith.andi %add3A_76, %and3A_77 : vector<16xi32>
        %gather3A = tpu.vector_load_idx %arg12[%add3A_46, %and3A_78] : memref<80x128xf32, #tpu.memory_space<vmem>>[vector<16xi32>, vector<16xi32>], vector<16xf32>,
        %gather3A_79 = tpu.vector_load_idx %arg13[%add3A_46, %and3A_78] : memref<80x128xf32, #tpu.memory_space<vmem>>[vector<16xi32>, vector<16xi32>], vector<16xf32>,
        %gather3A_80 = tpu.vector_load_idx %arg14[%add3A_46, %and3A_78] : memref<80x128xf32, #tpu.memory_space<vmem>>[vector<16xi32>, vector<16xi32>], vector<16xf32>,
        %mul3A_81 = arith.mulf %gather3A, %gather3A_79 : vector<16xf32>
        %mul3A_82 = arith.mulf %mul3A_81, %gather3A_80 : vector<16xf32>
        %add3A_83 = arith.addf %scan3A_69, %mul3A_82 : vector<16xf32>
        %mul3A_84 = arith.constant 8 : i32
        %mul3A_85 = arith.muli %scan3A_68, %mul3A_84 : i32
        %add3A_86 = arith.constant 1 : i32
        %add3A_87 = arith.addi %mul3A_85, %add3A_86 : i32
        %add3A_88 = vector.broadcast %add3A_87 : i32 to vector<16xi32>
        %add3A_89 = arith.addi %iota3A_47, %add3A_88 : vector<16xi32>
        %and3A_90 = arith.constant 127 : i32
        %and3A_91 = vector.broadcast %and3A_90 : i32 to vector<16xi32>
        %and3A_92 = arith.andi %add3A_89, %and3A_91 : vector<16xi32>
        %gather3A_93 = tpu.vector_load_idx %arg12[%add3A_46, %and3A_92] : memref<80x128xf32, #tpu.memory_space<vmem>>[vector<16xi32>, vector<16xi32>], vector<16xf32>,
        %gather3A_94 = tpu.vector_load_idx %arg13[%add3A_46, %and3A_92] : memref<80x128xf32, #tpu.memory_space<vmem>>[vector<16xi32>, vector<16xi32>], vector<16xf32>,
        %gather3A_95 = tpu.vector_load_idx %arg14[%add3A_46, %and3A_92] : memref<80x128xf32, #tpu.memory_space<vmem>>[vector<16xi32>, vector<16xi32>], vector<16xf32>,
        %mul3A_96 = arith.mulf %gather3A_93, %gather3A_94 : vector<16xf32>
        %mul3A_97 = arith.mulf %mul3A_96, %gather3A_95 : vector<16xf32>
        %add3A_98 = arith.addf %scan3A_70, %mul3A_97 : vector<16xf32>
        %mul3A_99 = arith.constant 8 : i32
        %mul3A_100 = arith.muli %scan3A_68, %mul3A_99 : i32
        %add3A_101 = arith.constant 2 : i32
        %add3A_102 = arith.addi %mul3A_100, %add3A_101 : i32
        %add3A_103 = vector.broadcast %add3A_102 : i32 to vector<16xi32>
        %add3A_104 = arith.addi %iota3A_47, %add3A_103 : vector<16xi32>
        %and3A_105 = arith.constant 127 : i32
        %and3A_106 = vector.broadcast %and3A_105 : i32 to vector<16xi32>
        %and3A_107 = arith.andi %add3A_104, %and3A_106 : vector<16xi32>
        %gather3A_108 = tpu.vector_load_idx %arg12[%add3A_46, %and3A_107] : memref<80x128xf32, #tpu.memory_space<vmem>>[vector<16xi32>, vector<16xi32>], vector<16xf32>,
        %gather3A_109 = tpu.vector_load_idx %arg13[%add3A_46, %and3A_107] : memref<80x128xf32, #tpu.memory_space<vmem>>[vector<16xi32>, vector<16xi32>], vector<16xf32>,
        %gather3A_110 = tpu.vector_load_idx %arg14[%add3A_46, %and3A_107] : memref<80x128xf32, #tpu.memory_space<vmem>>[vector<16xi32>, vector<16xi32>], vector<16xf32>,
        %mul3A_111 = arith.mulf %gather3A_108, %gather3A_109 : vector<16xf32>
        %mul3A_112 = arith.mulf %mul3A_111, %gather3A_110 : vector<16xf32>
        %add3A_113 = arith.addf %add3A_83, %mul3A_112 : vector<16xf32>
        %mul3A_114 = arith.constant 8 : i32
        %mul3A_115 = arith.muli %scan3A_68, %mul3A_114 : i32
        %add3A_116 = arith.constant 3 : i32
        %add3A_117 = arith.addi %mul3A_115, %add3A_116 : i32
        %add3A_118 = vector.broadcast %add3A_117 : i32 to vector<16xi32>
        %add3A_119 = arith.addi %iota3A_47, %add3A_118 : vector<16xi32>
        %and3A_120 = arith.constant 127 : i32
        %and3A_121 = vector.broadcast %and3A_120 : i32 to vector<16xi32>
        %and3A_122 = arith.andi %add3A_119, %and3A_121 : vector<16xi32>
        %gather3A_123 = tpu.vector_load_idx %arg12[%add3A_46, %and3A_122] : memref<80x128xf32, #tpu.memory_space<vmem>>[vector<16xi32>, vector<16xi32>], vector<16xf32>,
        %gather3A_124 = tpu.vector_load_idx %arg13[%add3A_46, %and3A_122] : memref<80x128xf32, #tpu.memory_space<vmem>>[vector<16xi32>, vector<16xi32>], vector<16xf32>,
        %gather3A_125 = tpu.vector_load_idx %arg14[%add3A_46, %and3A_122] : memref<80x128xf32, #tpu.memory_space<vmem>>[vector<16xi32>, vector<16xi32>], vector<16xf32>,
        %mul3A_126 = arith.mulf %gather3A_123, %gather3A_124 : vector<16xf32>
        %mul3A_127 = arith.mulf %mul3A_126, %gather3A_125 : vector<16xf32>
        %add3A_128 = arith.addf %add3A_98, %mul3A_127 : vector<16xf32>
        %mul3A_129 = arith.constant 8 : i32
        %mul3A_130 = arith.muli %scan3A_68, %mul3A_129 : i32
        %add3A_131 = arith.constant 4 : i32
        %add3A_132 = arith.addi %mul3A_130, %add3A_131 : i32
        %add3A_133 = vector.broadcast %add3A_132 : i32 to vector<16xi32>
        %add3A_134 = arith.addi %iota3A_47, %add3A_133 : vector<16xi32>
        %and3A_135 = arith.constant 127 : i32
        %and3A_136 = vector.broadcast %and3A_135 : i32 to vector<16xi32>
        %and3A_137 = arith.andi %add3A_134, %and3A_136 : vector<16xi32>
        %gather3A_138 = tpu.vector_load_idx %arg12[%add3A_46, %and3A_137] : memref<80x128xf32, #tpu.memory_space<vmem>>[vector<16xi32>, vector<16xi32>], vector<16xf32>,
        %gather3A_139 = tpu.vector_load_idx %arg13[%add3A_46, %and3A_137] : memref<80x128xf32, #tpu.memory_space<vmem>>[vector<16xi32>, vector<16xi32>], vector<16xf32>,
        %gather3A_140 = tpu.vector_load_idx %arg14[%add3A_46, %and3A_137] : memref<80x128xf32, #tpu.memory_space<vmem>>[vector<16xi32>, vector<16xi32>], vector<16xf32>,
        %mul3A_141 = arith.mulf %gather3A_138, %gather3A_139 : vector<16xf32>
        %mul3A_142 = arith.mulf %mul3A_141, %gather3A_140 : vector<16xf32>
        %add3A_143 = arith.addf %add3A_113, %mul3A_142 : vector<16xf32>
        %mul3A_144 = arith.constant 8 : i32
        %mul3A_145 = arith.muli %scan3A_68, %mul3A_144 : i32
        %add3A_146 = arith.constant 5 : i32
        %add3A_147 = arith.addi %mul3A_145, %add3A_146 : i32
        %add3A_148 = vector.broadcast %add3A_147 : i32 to vector<16xi32>
        %add3A_149 = arith.addi %iota3A_47, %add3A_148 : vector<16xi32>
        %and3A_150 = arith.constant 127 : i32
        %and3A_151 = vector.broadcast %and3A_150 : i32 to vector<16xi32>
        %and3A_152 = arith.andi %add3A_149, %and3A_151 : vector<16xi32>
        %gather3A_153 = tpu.vector_load_idx %arg12[%add3A_46, %and3A_152] : memref<80x128xf32, #tpu.memory_space<vmem>>[vector<16xi32>, vector<16xi32>], vector<16xf32>,
        %gather3A_154 = tpu.vector_load_idx %arg13[%add3A_46, %and3A_152] : memref<80x128xf32, #tpu.memory_space<vmem>>[vector<16xi32>, vector<16xi32>], vector<16xf32>,
        %gather3A_155 = tpu.vector_load_idx %arg14[%add3A_46, %and3A_152] : memref<80x128xf32, #tpu.memory_space<vmem>>[vector<16xi32>, vector<16xi32>], vector<16xf32>,
        %mul3A_156 = arith.mulf %gather3A_153, %gather3A_154 : vector<16xf32>
        %mul3A_157 = arith.mulf %mul3A_156, %gather3A_155 : vector<16xf32>
        %add3A_158 = arith.addf %add3A_128, %mul3A_157 : vector<16xf32>
        %mul3A_159 = arith.constant 8 : i32
        %mul3A_160 = arith.muli %scan3A_68, %mul3A_159 : i32
        %add3A_161 = arith.constant 6 : i32
        %add3A_162 = arith.addi %mul3A_160, %add3A_161 : i32
        %add3A_163 = vector.broadcast %add3A_162 : i32 to vector<16xi32>
        %add3A_164 = arith.addi %iota3A_47, %add3A_163 : vector<16xi32>
        %and3A_165 = arith.constant 127 : i32
        %and3A_166 = vector.broadcast %and3A_165 : i32 to vector<16xi32>
        %and3A_167 = arith.andi %add3A_164, %and3A_166 : vector<16xi32>
        %gather3A_168 = tpu.vector_load_idx %arg12[%add3A_46, %and3A_167] : memref<80x128xf32, #tpu.memory_space<vmem>>[vector<16xi32>, vector<16xi32>], vector<16xf32>,
        %gather3A_169 = tpu.vector_load_idx %arg13[%add3A_46, %and3A_167] : memref<80x128xf32, #tpu.memory_space<vmem>>[vector<16xi32>, vector<16xi32>], vector<16xf32>,
        %gather3A_170 = tpu.vector_load_idx %arg14[%add3A_46, %and3A_167] : memref<80x128xf32, #tpu.memory_space<vmem>>[vector<16xi32>, vector<16xi32>], vector<16xf32>,
        %mul3A_171 = arith.mulf %gather3A_168, %gather3A_169 : vector<16xf32>
        %mul3A_172 = arith.mulf %mul3A_171, %gather3A_170 : vector<16xf32>
        %add3A_173 = arith.addf %add3A_143, %mul3A_172 : vector<16xf32>
        %mul3A_174 = arith.constant 8 : i32
        %mul3A_175 = arith.muli %scan3A_68, %mul3A_174 : i32
        %add3A_176 = arith.constant 7 : i32
        %add3A_177 = arith.addi %mul3A_175, %add3A_176 : i32
        %add3A_178 = vector.broadcast %add3A_177 : i32 to vector<16xi32>
        %add3A_179 = arith.addi %iota3A_47, %add3A_178 : vector<16xi32>
        %and3A_180 = arith.constant 127 : i32
        %and3A_181 = vector.broadcast %and3A_180 : i32 to vector<16xi32>
        %and3A_182 = arith.andi %add3A_179, %and3A_181 : vector<16xi32>
        %gather3A_183 = tpu.vector_load_idx %arg12[%add3A_46, %and3A_182] : memref<80x128xf32, #tpu.memory_space<vmem>>[vector<16xi32>, vector<16xi32>], vector<16xf32>,
        %gather3A_184 = tpu.vector_load_idx %arg13[%add3A_46, %and3A_182] : memref<80x128xf32, #tpu.memory_space<vmem>>[vector<16xi32>, vector<16xi32>], vector<16xf32>,
        %gather3A_185 = tpu.vector_load_idx %arg14[%add3A_46, %and3A_182] : memref<80x128xf32, #tpu.memory_space<vmem>>[vector<16xi32>, vector<16xi32>], vector<16xf32>,
        %mul3A_186 = arith.mulf %gather3A_183, %gather3A_184 : vector<16xf32>
        %mul3A_187 = arith.mulf %mul3A_186, %gather3A_185 : vector<16xf32>
        %add3A_188 = arith.addf %add3A_158, %mul3A_187 : vector<16xf32>
        scf.yield %add3A_173, %add3A_188 : vector<16xf32>, vector<16xf32>
      }
      %scan3A_54 = arith.constant 16 : i32
      %add3A_55 = arith.addf %scan3A_53#0, %scan3A_53#1 : vector<16xf32>
      %neg3A = arith.constant 0.000000e+00 : f32
      %neg3A_56 = vector.broadcast %neg3A : f32 to vector<16xf32>
      %neg3A_57 = arith.subf %neg3A_56, %add3A_55 : vector<16xf32>
      %exp3A = math.exp %neg3A_57 : vector<16xf32>
      %add3A_58 = arith.constant 1.000000e+00 : f32
      %add3A_59 = vector.broadcast %add3A_58 : f32 to vector<16xf32>
      %add3A_60 = arith.addf %add3A_59, %exp3A : vector<16xf32>
      %div3A = arith.constant 1.000000e+00 : f32
      %div3A_61 = vector.broadcast %div3A : f32 to vector<16xf32>
      %div3A_62 = arith.divf %div3A_61, %add3A_60 : vector<16xf32>
      %mul3A_63 = arith.constant 16 : i32
      %mul3A_64 = arith.muli %scan3A_42, %mul3A_63 : i32
      %add3A_65 = arith.constant 9920 : i32
      %add3A_66 = arith.addi %add3A_65, %mul3A_64 : i32
      %swap3A = arith.index_cast %add3A_66 : i32 to index
      %swap3A_67 = tpu.vector_load %arg11[%swap3A] {strides = array<i32>} : memref<10000xf32, #tpu.memory_space<vmem>>, vector<16xf32>,
      tpu.vector_store %arg11[%swap3A], %div3A_62 {strides = array<i32>} : memref<10000xf32, #tpu.memory_space<vmem>>, vector<16xf32>,
    }
    %scan3A_41 = arith.constant 5 : i32
    "tpu.region"() ({
      %run_scoped3A = tpu.sem_alloc : memref<!tpu.dma_semaphore, #tpu.memory_space<semaphore_mem>>
      %dma_start3A_42 = tpu.memref_slice %arg7[%mul3A_2] : memref<320000xf32, #tpu.memory_space<hbm>> -> memref<10000xf32, #tpu.memory_space<hbm>>
      %dma_start3A_43 = tpu.memref_slice %arg7[%mul3A_2] : memref<320000xf32, #tpu.memory_space<hbm>> -> memref<10000xf32, #tpu.memory_space<hbm>>
      tpu.enqueue_dma source(%arg11 : memref<10000xf32, #tpu.memory_space<vmem>>) target(%dma_start3A_43 : memref<10000xf32, #tpu.memory_space<hbm>>) target_semaphore(%run_scoped3A : memref<!tpu.dma_semaphore, #tpu.memory_space<semaphore_mem>>)
      %dma_wait3A_44 = tpu.memref_slice %arg7[%mul3A_2] : memref<320000xf32, #tpu.memory_space<hbm>> -> memref<10000xf32, #tpu.memory_space<hbm>>
      %dma_wait3A_45 = tpu.memref_slice %arg7[%mul3A_2] : memref<320000xf32, #tpu.memory_space<hbm>> -> memref<10000xf32, #tpu.memory_space<hbm>>
      tpu.wait_dma2 semaphore(%run_scoped3A : memref<!tpu.dma_semaphore, #tpu.memory_space<semaphore_mem>>) src(%arg11 : memref<10000xf32, #tpu.memory_space<vmem>>) dst(%dma_wait3A_45 : memref<10000xf32, #tpu.memory_space<hbm>>)
      tpu.yield
    }) : () -> ()
    return
  }
}

</mosaic_0001>

<sc_bundles>
// kernel: _sc_score.3.cloned.1.call-start
scs
__scs_entry_jumppad:
0x0: {  	(pc) =	sbr.rel $0x88, $3  }
0x1: {  	(tag) =	ssettag $0x0;
	lr =	simm.s32 $0x1  }
0x2: {  	[smem:$0x3F9C] =	sst lr;
	_ =	strace $0xD0000000  }
0x3: {  	_ = 	snop  }
0x4: {  	_ = 	snop  }
0x5: {  	_ = 	snop  }
0x6: {  	_ = 	snop  }
0x7: {  	_ = 	snop  }
__scs_overlays_trampoline_lowered:
0x8: {  	[smem:$0x3FAB] =	sst s0  }
0x9: {  	[smem:$0x3FAC] =	sst s1  }
0xa: {  	[smem:$0x3FAD] =	sst s2  }
0xb: {  	[smem:$0x3FAE] =	sst s3  }
0xc: {  	[smem:$0x3FAF] =	sst s4  }
0xd: {  	[smem:$0x3FB0] =	sst s5  }
0xe: {  	[smem:$0x3FB1] =	sst s6  }
0xf: {  	[smem:$0x3FB2] =	sst s7  }
0x10: {  	[smem:$0x3FB3] =	sst s8  }
0x11: {  	[smem:$0x3FB4] =	sst s9;
	s0 =	simm.s32 @!p0 $0x0  }
0x12: {  	s1 =	sld [smem:$0x3F9A];
	s0 =	simm.s32 @p0 $0x1  }
0x13: {  	[smem:$0x3FB5] =	sst s0;
	s0 =	simm.s32 @!p1 $0x0  }
0x14: {  	s2 =	sld [smem:$0x3F99];
	s0 =	simm.s32 @p1 $0x1  }
0x15: {  	[smem:$0x3FB6] =	sst s0;
	s0 =	simm.s32 @!p2 $0x0  }
0x16: {  	s3 =	sld [smem:$0x3FDB];
	s0 =	simm.s32 @p2 $0x1  }
0x17: {  	s4 =	simm.s32 $0x1BF5;
	[smem:$0x3FB8] =	sst s0  }
0x18: {  	s0 =	sld [smem:$0x3F9B];
	_ =	swait.ge [sflag:s4], $0x0  }
0x19: {  	s7 =	sld [smem:$0x3F9C]  }
0x1a: {  	s8 =	sadd.s32 $0xFFFFE003, lr  }
0x1b: {  	s9 =	sadd.s32 $0xFFFFFEF7, lr;
	s5 =	simm.s32 $0xFFFFFFFF;
	p2 =	slt.u32 s8, $0xFFFFF086  }
0x1c: {  	p1 =	slt.u32 s9, $0xF7A;
	s5 =	simm.s32 @!p2 $0x0  }
0x1d: {  	s5 =	simm.s32 @p1 $0x1;
	p0 =	seq.s32 s7, s2  }
0x1e: {  	s7 =	smul.u32 @!p0 $0xF7A, s2;
	p2 =	seq.s32 @!p0 s5, $0x0  }
0x1f: {  	s9 =	smul.u32 $0xF7A, s1;
	s8 =	simm.s32 @!p0 $0x1BF5;
	p2 =	por !p2, p0  }
0x20: {  	[sflag:s8] =	ssyncset.s32 @!p0 $0xFFFFF086;
	s6 =	sadd.s32 @!p0 s3, s7;
	s7 =	simm.s32 @!p0 $0x108  }
0x21: {  	s3 =	sadd.s32 s3, s9;
	s6 =	sadd.s32 @!p0 $0x88, s6;
	s7 =	simm.s32 @p2 $0x1082  }
0x22: {  	[simem:s7], [sflag:s8] =	dma.local @!p0 [hbm:s6], $0xF7A  }
0x23: {  	s9 =	sor.u32 $0xD0000000, s2;
	s6 =	simm.s32 $0x108;
	_ =	swait.ge @!p0 [sflag:s8], $0x0  }
0x24: {  	s3 =	sadd.s32 $0x88, s3;
	s6 =	simm.s32 @!p1 $0x1082;
	[sflag:s4] =	ssyncset.s32 $0xFFFFF086  }
0x25: {  	[simem:s6], [sflag:s4] =	dma.local [hbm:s3], $0xF7A  }
0x26: {  	[smem:$0x3F9C] =	sst s1;
	(tag) =	ssettag s2;
	_ =	strace s9  }
0x27: {  	s1 =	sld [smem:$0x3FAC]  }
0x28: {  	s2 =	sld [smem:$0x3FAD]  }
0x29: {  	s4 =	sld [smem:$0x3FAF]  }
0x2a: {  	p0 =	seq.s32 s5, $0x0;
	s5 =	sld [smem:$0x3FB0]  }
0x2b: {  	s6 =	sld [smem:$0x3FB1]  }
0x2c: {  	s7 =	sld [smem:$0x3FB2]  }
0x2d: {  	s3 =	simm.s32 $0x108;
	s8 =	sld [smem:$0x3FB3]  }
0x2e: {  	s3 =	simm.s32 @!p0 $0x1082;
	s9 =	sld [smem:$0x3FB4]  }
0x2f: {  	lr =	sadd.s32 s0, s3;
	s0 =	sld [smem:$0x3FAB]  }
0x30: {  	s3 =	sld [smem:$0x3FAE]  }
0x31: {  	[smem:$0x3FB7] =	sst s10  }
0x32: {  	s10 =	sld [smem:$0x3FB5];
	_ =	sdelay $0x3  }
0x33: {  	p0 =	seq.s32 s10, $0x1;
	s10 =	sld [smem:$0x3FB7];
	_ =	sdelay $0x3  }
0x34: {  	[smem:$0x3FB7] =	sst s10  }
0x35: {  	s10 =	sld [smem:$0x3FB6];
	_ =	sdelay $0x3  }
0x36: {  	p1 =	seq.s32 s10, $0x1;
	s10 =	sld [smem:$0x3FB7];
	_ =	sdelay $0x3  }
0x37: {  	[smem:$0x3FB7] =	sst s10  }
0x38: {  	s10 =	sld [smem:$0x3FB8]  }
0x39: {  	_ = 	snop;
	(pc) =	sbr.ind lr, $3  }
0x3a: {  	_ = 	snop  }
0x3b: {  	_ = 	snop  }
0x3c: {  	p2 =	seq.s32 s10, $0x1;
	s10 =	sld [smem:$0x3FB7]  }
0x3d: {  	_ =	shalt  }
0x3e: {  	_ =	shalt  }
0x3f: {  	_ =	shalt  }
0x40: {  	_ =	shalt  }
0x41: {  	_ =	shalt  }
0x42: {  	_ =	shalt  }
0x43: {  	_ =	shalt  }
0x44: {  	_ =	shalt  }
0x45: {  	_ =	shalt  }
0x46: {  	_ =	shalt  }
0x47: {  	_ =	shalt  }
0x48: {  	_ =	shalt  }
0x49: {  	_ =	shalt  }
0x4a: {  	_ =	shalt  }
0x4b: {  	_ =	shalt  }
0x4c: {  	_ =	shalt  }
0x4d: {  	_ =	shalt  }
0x4e: {  	_ =	shalt  }
0x4f: {  	_ =	shalt  }
0x50: {  	_ =	shalt  }
0x51: {  	_ =	shalt  }
0x52: {  	_ =	shalt  }
0x53: {  	_ =	shalt  }
0x54: {  	_ =	shalt  }
0x55: {  	_ =	shalt  }
0x56: {  	_ =	shalt  }
0x57: {  	_ =	shalt  }
0x58: {  	_ =	shalt  }
0x59: {  	_ =	shalt  }
0x5a: {  	_ =	shalt  }
0x5b: {  	_ =	shalt  }
0x5c: {  	_ =	shalt  }
0x5d: {  	_ =	shalt  }
0x5e: {  	_ =	shalt  }
0x5f: {  	_ =	shalt  }
0x60: {  	_ =	shalt  }
0x61: {  	_ =	shalt  }
0x62: {  	_ =	shalt  }
0x63: {  	_ =	shalt  }
0x64: {  	_ =	shalt  }
0x65: {  	_ =	shalt  }
0x66: {  	_ =	shalt  }
0x67: {  	_ =	shalt  }
0x68: {  	_ =	shalt  }
0x69: {  	_ =	shalt  }
0x6a: {  	_ =	shalt  }
0x6b: {  	_ =	shalt  }
0x6c: {  	_ =	shalt  }
0x6d: {  	_ =	shalt  }
0x6e: {  	_ =	shalt  }
0x6f: {  	_ =	shalt  }
0x70: {  	_ =	shalt  }
0x71: {  	_ =	shalt  }
0x72: {  	_ =	shalt  }
0x73: {  	_ =	shalt  }
0x74: {  	_ =	shalt  }
0x75: {  	_ =	shalt  }
0x76: {  	_ =	shalt  }
0x77: {  	_ =	shalt  }
0x78: {  	_ =	shalt  }
0x79: {  	_ =	shalt  }
0x7a: {  	_ =	shalt  }
0x7b: {  	_ =	shalt  }
0x7c: {  	_ =	shalt  }
0x7d: {  	_ =	shalt  }
0x7e: {  	_ =	shalt  }
0x7f: {  	_ =	shalt  }
0x80: {  	_ =	shalt  }
0x81: {  	_ =	shalt  }
0x82: {  	_ =	shalt  }
0x83: {  	_ =	shalt  }
0x84: {  	_ =	shalt  }
0x85: {  	_ =	shalt  }
0x86: {  	_ =	shalt  }
0x87: {  	_ =	shalt  }
.Lfunc_end0:
.L_simem_size_0:
called_computation_lowered:
.L_overlay_start_0:
0x88: {  	s2 =	sld [smem:$0x3FD9]  }
0x89: {  	s3 =	sld [smem:$0x3FFE];
	_ =	sdelay $0x1  }
0x8a: {  	s1 =	srdreg.scid  }
0x8b: {  	s0 =	sand.u32 $0x1, s1  }
0x8c: {  	s18 =	sshll.u32 s0, $0xA;
	s2 =	sadd.s32 s3, s2  }
0x8d: {  	s2 =	sadd.s32 s2, s18  }
0x8e: {  	[smem:$0x3FC3] =	sst s2  }
0x8f: {  	_ = 	snop  }
0x90: {  	s2 =	sld [smem:$0x3FC9]  }
0x91: {  	s19 =	sld [smem:$0x3FC8]  }
0x92: {  	s4 =	sld [smem:$0x3FC7]  }
0x93: {  	s5 =	sld [smem:$0x3FC6]  }
0x94: {  	s6 =	sld [smem:$0x3FC5]  }
0x95: {  	s7 =	sld [smem:$0x3FD0];
	(tm) =	ssettm $0x1  }
0x96: {  	s8 =	sld [smem:$0x3FFB];
	_ =	sdelay $0x3  }
0x97: {  	_ =	strace s8  }
0x98: {  	s8 =	sld [smem:$0x3FFC];
	_ =	sdelay $0x3  }
0x99: {  	_ =	strace s8  }
0x9a: {  	s8 =	sld [smem:$0x3FFD];
	_ =	sdelay $0x3  }
0x9b: {  	_ =	strace s8  }
0x9c: {  	_ =	strace $0x8FFFFFFF  }
0x9d: {  	s20 =	sld [smem:$0x3FDB];
	_ =	sdelay $0x1  }
0x9e: {  	s9 =	simm.s32 $_scs_section_size  }
0x9f: {  	s10 =	simm.s32 $_size__tile_overlayer_lowered;
	s11 =	simm.s32 $_tile_overlayer_lowered  }
0xa0: {  	s23 =	simm.s32 $0x1BFF;
	s22 =	sshll.u32 s11, $0x1;
	s8 =	sadd.s32 s9, s20  }
0xa1: {  	s12 =	simm.s32 $0x0;
	s21 =	sshll.u32 s10, $0x1;
	s10 =	sadd.s32 s22, s8  }
0xa2: {  	[timem:s12], [sflag:s23] =	dma.local [hbm:s10], s21  }
0xa3: {  	_ =	swait.ge [sflag:s23], s21  }
0xa4: {  	s9 =	ssub.s32 $0x0, s21;
	[sflag:s23] =	ssyncset.done $0x0  }
0xa5: {  	[sflag:s23] =	ssyncadd.s32 s9;
	_ =	sdelay $0x1  }
0xa6: {  	s24 =	simm.s32 $0x1B8B  }
0xa7: {  	_ =	swait.ge [sflag:s24], $0x1  }
0xa8: {  	[sflag:s24] =	ssyncset.done $0x0  }
0xa9: {  	s25 =	simm.s32 $0x1B8E;
	[sflag:s24] =	ssyncadd.s32 $0xFFFFFFFF  }
0xaa: {  	s26 =	simm.s32 $execute0_lowered;
	[smem:$0x3FD2] =	sst s25  }
0xab: {  	s9 =	sshll.u32 s26, $0x1;
	_ =	strace $0x80000046;
	[dreg:$0x1] =	wrdreg $0xFFFFFFFF  }
0xac: {  	s28 =	simm.s32 $_size_execute0_lowered;
	s8 =	sadd.s32 s8, s9;
	[dreg:$0x0] =	wrdreg $0x0  }
0xad: {  	s9 =	sshll.u32 s28, $0x1;
	[dreg:$0x2] =	wrdreg s8  }
0xae: {  	[dreg:$0x3] =	wrdreg s9  }
0xaf: {  	[dreg:$0x4] =	wrdreg $0xC0  }
0xb0: {  	_ =	task [dreg:s12], $0x5FFFF  }
0xb1: {  	[dreg:$0x1] =	wrdreg $0xFFFFFFFF  }
0xb2: {  	[dreg:$0x0] =	wrdreg $0x60  }
0xb3: {  	[dreg:$0x2] =	wrdreg s2  }
0xb4: {  	[dreg:$0x3] =	wrdreg s19  }
0xb5: {  	[dreg:$0x4] =	wrdreg s4  }
0xb6: {  	[dreg:$0x5] =	wrdreg s5  }
0xb7: {  	[dreg:$0x6] =	wrdreg s6  }
0xb8: {  	[dreg:$0x7] =	wrdreg s7  }
0xb9: {  	[dreg:$0x8] =	wrdreg $0x9  }
0xba: {  	_ =	task.clear_ibuf [dreg:s12], $0x9FFFF;
	_ =	strace $0x90000046  }
0xbb: {  	s29 =	simm.s32 $0x9;
	_ =	strace $0x80000048  }
0xbc: {  	_ =	swait.ge [sflag:s29], $0x1  }
0xbd: {  	[sflag:s29] =	ssyncadd.s32 $0xFFFFFFFF  }
0xbe: {  	_ =	strace $0x90000048  }
0xbf: {  	_ =	sfence  }
0xc0: {  	s30 =	sld [smem:$0x0];
	_ =	sdelay $0x2  }
0xc1: {  	s31 =	sshll.u32 s1, $0xD;
	s1 =	sshrl.u32 s1, $0x2  }
0xc2: {  	s3 =	sand.u32 $0x4000, s31;
	s1 =	sadd.s32 s1, s30  }
0xc3: {  	s0 =	sor.u32 s3, s0;
	s1 =	sshll.u32 s1, $0x11  }
0xc4: {  	s0 =	sor.u32 s1, s0  }
0xc5: {  	s0 =	sadd.s32 $0x8F2B, s0  }
0xc6: {  	[sflag:s0] =	ssyncadd.remote.s32 $0x1  }
0xc7: {  	_ =	sfence.sel $0xFFFF  }
0xc8: {  	[dreg:$0x0] =	wrdreg $0xFFFFFFFF;
	(pc) =	sbr.abs _section_cstart, $3  }
0xc9: {  	[dreg:$0x1] =	wrdreg $0xFFFFFFFF  }
0xca: {  	_ =	task.clear_ibuf [dreg:s12], $0x2FFFF;
	_ =	strace $0x9FFFFFFF  }
0xcb: {  	(tm) =	ssettm $0x7FFFFFFF  }
tec
execute0_lowered:
.L_overlay_start_1:
0x0: {  	(tag) =	ssettag $0x1  }
0x1: {  	s0 =	rddreg [dreg:$0x0]  }
0x2: {  	s5 =	rddreg [dreg:$0x1]  }
0x3: {  	s6 =	rddreg [dreg:$0x2]  }
0x4: {  	s7 =	rddreg [dreg:$0x3]  }
0x5: {  	s3 =	rddreg [dreg:$0x4];
	s2 =	srdreg.scid  }
0x6: {  	s1 =	stileid.u32;
	s8 =	rddreg [dreg:$0x5];
	s12 =	simm.s32 $0x4E20  }
0x7: {  	s13 =	simm.s32 $0x50;
	s14 =	simm.s32 $0x9C40;
	s15 =	simm.s32 $0xC440  }
0x8: {  	s16 =	simm.s32 $0xEC40;
	s17 =	simm.s32 $0x11440;
	s18 =	simm.s32 $0x13C40  }
0x9: {  	s19 =	simm.s32 $0x16440;
	s20 =	simm.s32 $0x1;
	s21 =	simm.s32 $0x2  }
0xa: {  	s23 =	simm.s32 $0x0;
	s9 =	sand.u32 $0x1, s2;
	s4 =	sshll.u32 s1, $0x1  }
0xb: {  	s10 =	sor.u32 s9, s4;
	s4 =	simm.s32 $0x0;
	s9 =	ssub.s32 $0x2, s9  }
0xc: {  	s10 =	smul.u32 $0x4E2, s10;
	[smem:$0x7FF] =	sst s4;
	s11 =	sshrl.u32 s9, $0x1  }
0xd: {  	_ =	strace $0x80000047;
	s9 =	ssub.s32 s9, s11;
	s11 =	simm.s32 $0x2710  }
0xe: {  	v0 =	vlaneseq.u32;
	s5 =	sadd.s32 s5, s10;
	s6 =	sadd.s32 s6, s10;
	s7 =	sadd.s32 s7, s10  }
0xf: {  	v1 =	vmul.u32 $0x80, v0;
	v2 =	vand.u32 $0x7, v0;
	s8 =	sadd.s32 s8, s10;
	s9 =	smax.u32 s9, $0x1;
	s10 =	simm.s32 $0x3  }
.LBB2_1:
0x10: {  	[tilespmem:s4], [sflag:$0x3] =	stream.linear.gather [hbm4b:s5+s4], $0x2710, $0x38;
	[tilespmem:$0x18C40] =	vst v63  }
0x11: {  	_ =	swait.ge [sflag:s10], $0x2710  }
0x12: {  	[sflag:s10] =	ssyncset.done $0x0  }
0x13: {  	[sflag:s10] =	ssyncadd.s32 $0xFFFFD8F0  }
0x14: {  	[tilespmem:s11], [sflag:$0x3] =	stream.linear.gather [hbm4b:s6+s4], $0x2710, $0x38;
	[tilespmem:$0x18C40] =	vst v63  }
0x15: {  	_ =	swait.ge [sflag:s10], $0x2710  }
0x16: {  	[sflag:s10] =	ssyncset.done $0x0  }
0x17: {  	[sflag:s10] =	ssyncadd.s32 $0xFFFFD8F0  }
0x18: {  	[tilespmem:s12], [sflag:$0x3] =	stream.linear.gather [hbm4b:s7+s4], $0x2710, $0x38;
	[tilespmem:$0x18C40] =	vst v63  }
0x19: {  	_ =	swait.ge [sflag:s10], $0x2710  }
0x1a: {  	[sflag:s10] =	ssyncset.done $0x0  }
0x1b: {  	[sflag:s10] =	ssyncadd.s32 $0xFFFFD8F0  }
0x1c: {  	[tilespmem:s14], [sflag:$0x1] =	stream.indirect.gather [hbm4b:s0+s13], $0x80, s4, s13, $0xb8;
	[tilespmem:$0x18C40] =	vst v63  }
0x1d: {  	_ = 	snop  }
0x1e: {  	[tilespmem:s15], [sflag:$0x1] =	stream.indirect.gather [hbm4b:s0+s13], $0x80, s11, s13, $0xb8;
	[tilespmem:$0x18C40] =	vst v63  }
0x1f: {  	s24 =	simm.s32 $0x0  }
0x20: {  	[tilespmem:s16], [sflag:$0x1] =	stream.indirect.gather [hbm4b:s3+s13], $0x80, s12, s13, $0xb8;
	[tilespmem:$0x18C40] =	vst v63  }
.LBB2_2:
0x21: {  	s26 =	smul.u32 $0xA0, s24;
	_ =	sdelay $0x1  }
0x22: {  	s25 =	sadd.s32 $0x50, s26  }
0x23: {  	[tilespmem:s17], [sflag:$0x2] =	stream.indirect.gather [hbm4b:s0+s13], $0x80, s25, s13, $0xb8;
	[tilespmem:$0x18C40] =	vst v63  }
0x24: {  	s28 =	sadd.s32 $0x2760, s26  }
0x25: {  	[tilespmem:s18], [sflag:$0x2] =	stream.indirect.gather [hbm4b:s0+s13], $0x80, s28, s13, $0xb8;
	[tilespmem:$0x18C40] =	vst v63  }
0x26: {  	s28 =	sadd.s32 $0x4E70, s26  }
0x27: {  	[tilespmem:s19], [sflag:$0x2] =	stream.indirect.gather [hbm4b:s3+s13], $0x80, s28, s13, $0xb8;
	[tilespmem:$0x18C40] =	vst v63  }
0x28: {  	_ =	swait.ge [sflag:s20], $0x2800  }
0x29: {  	[sflag:s20] =	ssyncset.done $0x0  }
0x2a: {  	[sflag:s20] =	ssyncadd.s32 $0xFFFFD800  }
0x2b: {  	_ =	swait.ge [sflag:s20], $0x2800  }
0x2c: {  	s28 =	smul.u32 $0x280, s24;
	[sflag:s20] =	ssyncset.done $0x0  }
0x2d: {  	[sflag:s20] =	ssyncadd.s32 $0xFFFFD800  }
0x2e: {  	s28 =	sshra.s32 s28, $0x2;
	_ =	swait.ge [sflag:s20], $0x2800  }
0x2f: {  	s29 =	sadd.s32 $0x7530, s28;
	[sflag:s20] =	ssyncset.done $0x0  }
0x30: {  	s28 =	simm.s32 $0x0;
	v3 =	vmov s29;
	[sflag:s20] =	ssyncadd.s32 $0xFFFFD800  }
.LBB2_3:
0x31: {  	s29 =	sshll.u32 s28, $0x4  }
0x32: {  	s30 =	simm.s32 $0x7;
	v4 =	vmov s29  }
0x33: {  	v5 =	vadd.s32 s30, v0;
	v4 =	vshll.u32 v4, $0x7  }
0x34: {  	v6 =	vor.u32 v1, v4;
	v4 =	vand.u32 $0x7F, v5  }
0x35: {  	s2 =	simm.s32 $0x3;
	v5 =	vor.u32 v6, v4  }
0x36: {  	s31 =	simm.s32 $0x5;
	v7 =	vadd.s32 s2, v0  }
0x37: {  	v7 =	vand.u32 $0x7F, v7;
	v4 =	vadd.s32 s31, v0  }
0x38: {  	v17 =	vor.u32 v6, v7;
	v4 =	vand.u32 $0x7F, v4  }
0x39: {  	v12 =	vor.u32 v6, v4  }
0x3a: {  	s1 =	simm.s32 $0x1;
	v4 =	vld.idx.msk [tilespmem:v5+s16+$0x0], $0xffff  }
0x3b: {  	v7 =	vadd.s32 s1, v0;
	v9 =	vld.idx.msk [tilespmem:v5+s14+$0x0], $0xffff  }
0x3c: {  	v7 =	vand.u32 $0x7F, v7;
	v11 =	vld.idx.msk [tilespmem:v5+s15+$0x0], $0xffff  }
0x3d: {  	v18 =	vor.u32 v6, v7;
	v7 =	vld.idx.msk [tilespmem:v17+s16+$0x0], $0xffff  }
0x3e: {  	s22 =	simm.s32 $0x6;
	v5 =	vld.idx.msk [tilespmem:v12+s16+$0x0], $0xffff  }
0x3f: {  	v10 =	vimm.f32 $0.0e+00;
	v13 =	vadd.s32 s22, v0;
	s1 =	simm.s32 $0x4;
	v14 =	vld.idx.msk [tilespmem:v12+s14+$0x0], $0xffff  }
0x40: {  	v8 =	vor.u32 v2, v6;
	s31 =	simm.s32 $0x0;
	v19 =	vadd.s32 s1, v0;
	v16 =	vld.idx.msk [tilespmem:v12+s15+$0x0], $0xffff;
	v12 =	vand.u32 $0x7F, v13  }
0x41: {  	v15 =	vadd.s32 s31, v0;
	v19 =	vand.u32 $0x7F, v19;
	v20 =	vld.idx.msk [tilespmem:v17+s14+$0x0], $0xffff;
	v13 =	vor.u32 v6, v12  }
0x42: {  	s31 =	simm.s32 $0xF;
	v21 =	vand.u32 $0x78, v15;
	v19 =	vor.u32 v6, v19;
	v15 =	vld.idx.msk [tilespmem:v18+s16+$0x0], $0xffff;
	v12 =	vimm.f32 $0.0e+00  }
.LBB2_4:
0x43: {  	p0 =	sne.s32 s31, $0x7F;
	v21 =	vor.u32 v21, v8;
	s1 =	sadd.s32 $0xFFFFFFFB, s30;
	v17 =	vld.idx.msk [tilespmem:v17+s15+$0x0], $0xffff;
	s30 =	smov.u32 s31  }
0x44: {  	v22 =	vld.idx.msk [tilespmem:v18+s14+$0x0], $0xffff;
	v23 =	vadd.s32 s1, v0  }
0x45: {  	v18 =	vld.idx.msk [tilespmem:v18+s15+$0x0], $0xffff;
	v23 =	vand.u32 $0x7F, v23  }
0x46: {  	v23 =	vor.u32 v6, v23;
	v24 =	vld.idx.msk [tilespmem:v13+s14+$0x0], $0xffff  }
0x47: {  	v25 =	vld.idx.msk [tilespmem:v19+s14+$0x0], $0xffff  }
0x48: {  	v26 =	vld.idx.msk [tilespmem:v21+s16+$0x0], $0xffff  }
0x49: {  	v27 =	vld.idx.msk [tilespmem:v21+s14+$0x0], $0xffff  }
0x4a: {  	v28 =	vadd.s32 s31, v0;
	v21 =	vld.idx.msk [tilespmem:v21+s15+$0x0], $0xffff  }
0x4b: {  	v28 =	vand.u32 $0x7F, v28;
	v29 =	vld.idx.msk [tilespmem:v23+s14+$0x0], $0xffff  }
0x4c: {  	s2 =	sadd.s32 $0xFFFFFFFE, s31;
	s1 =	sadd.s32 $0xFFFFFFFC, s31;
	v28 =	vor.u32 v6, v28;
	v30 =	vld.idx.msk [tilespmem:v23+s15+$0x0], $0xffff  }
0x4d: {  	s22 =	sadd.s32 $0xFFFFFFFA, s31;
	v32 =	vadd.s32 s2, v0;
	v31 =	vadd.s32 s1, v0;
	v33 =	vld.idx.msk [tilespmem:v19+s15+$0x0], $0xffff  }
0x4e: {  	v9 =	vmul.f32 v11, v9;
	v34 =	vadd.s32 s22, v0;
	v32 =	vand.u32 $0x7F, v32;
	v23 =	vld.idx.msk [tilespmem:v23+s16+$0x0], $0xffff  }
0x4f: {  	v14 =	vmul.f32 v16, v14;
	v11 =	vand.u32 $0x7F, v31;
	v18 =	vmul.f32 v18, v22;
	v16 =	vld.idx.msk [tilespmem:v13+s15+$0x0], $0xffff  }
0x50: {  	v20 =	vmul.f32 v17, v20;
	v22 =	vor.u32 v6, v32;
	v21 =	vmul.f32 v21, v27;
	v19 =	vld.idx.msk [tilespmem:v19+s16+$0x0], $0xffff  }
0x51: {  	v17 =	vor.u32 v6, v11;
	v15 =	vmul.f32 v15, v18;
	v27 =	vmul.f32 v4, v9;
	v4 =	vld.idx.msk [tilespmem:v28+s16+$0x0], $0xffff  }
0x52: {  	v9 =	vand.u32 $0x7F, v34;
	v21 =	vmul.f32 v26, v21;
	v26 =	vmul.f32 v30, v29;
	v13 =	vld.idx.msk [tilespmem:v13+s16+$0x0], $0xffff  }
0x53: {  	v20 =	vmul.f32 v7, v20;
	v18 =	vor.u32 v6, v9;
	v25 =	vmul.f32 v33, v25;
	v9 =	vld.idx.msk [tilespmem:v28+s14+$0x0], $0xffff  }
0x54: {  	s1 =	sadd.s32 $0xFFFFFFFF, s31;
	v12 =	vadd.f32 v15, v12;
	v10 =	vadd.f32 v21, v10;
	v15 =	vmul.f32 v23, v26;
	v11 =	vld.idx.msk [tilespmem:v28+s15+$0x0], $0xffff  }
0x55: {  	v21 =	vadd.s32 s1, v0;
	v23 =	vmul.f32 v5, v14;
	v24 =	vmul.f32 v16, v24;
	v5 =	vld.idx.msk [tilespmem:v22+s16+$0x0], $0xffff  }
.Ltmp0:
0x56: {  	s2 =	sadd.s32 $0xFFFFFFFD, s31;
	v12 =	vadd.f32 v20, v12;
	s1 =	sadd.s32 $0xFFFFFFF9, s31;
	v10 =	vadd.f32 v15, v10;
	v15 =	vmul.f32 v19, v25;
	v7 =	vld.idx.msk [tilespmem:v17+s16+$0x0], $0xffff;
	(pc) =	sbr.rel @p0 .LBB2_4-.Ltmp0, $4  }
0x57: {  	v20 =	vadd.s32 s2, v0;
	v19 =	vadd.s32 s1, v0;
	v25 =	vand.u32 $0x7F, v21;
	v14 =	vld.idx.msk [tilespmem:v22+s14+$0x0], $0xffff  }
0x58: {  	v12 =	vadd.f32 v23, v12;
	v10 =	vadd.f32 v15, v10;
	v16 =	vld.idx.msk [tilespmem:v22+s15+$0x0], $0xffff;
	v22 =	vmul.f32 v13, v24  }
0x59: {  	v21 =	vand.u32 $0x78, v19;
	v19 =	vand.u32 $0x7F, v20;
	v13 =	vor.u32 v6, v25;
	v15 =	vld.idx.msk [tilespmem:v18+s16+$0x0], $0xffff  }
0x5a: {  	s31 =	sadd.s32 $0x8, s31;
	v19 =	vor.u32 v6, v19;
	v12 =	vadd.f32 v27, v12;
	v20 =	vld.idx.msk [tilespmem:v17+s14+$0x0], $0xffff;
	v10 =	vadd.f32 v22, v10  }
0x5b: {  	_ =	sdelay $0x3  }
0x5c: {  	v8 =	vor.u32 v21, v8;
	s1 =	sadd.s32 $0xFFFFFFFB, s30;
	v17 =	vld.idx.msk [tilespmem:v17+s15+$0x0], $0xffff  }
0x5d: {  	v51 =	vld.idx.msk [tilespmem:v18+s14+$0x0], $0xffff;
	v22 =	vadd.s32 s1, v0  }
0x5e: {  	v52 =	vld.idx.msk [tilespmem:v18+s15+$0x0], $0xffff;
	v22 =	vand.u32 $0x7F, v22  }
0x5f: {  	v53 =	vld.idx.msk [tilespmem:v13+s14+$0x0], $0xffff;
	v6 =	vor.u32 v6, v22  }
0x60: {  	v23 =	vld.idx.msk [tilespmem:v19+s14+$0x0], $0xffff  }
0x61: {  	v24 =	vld.idx.msk [tilespmem:v8+s16+$0x0], $0xffff  }
0x62: {  	v25 =	vld.idx.msk [tilespmem:v8+s14+$0x0], $0xffff  }
0x63: {  	v8 =	vld.idx.msk [tilespmem:v8+s15+$0x0], $0xffff  }
0x64: {  	v26 =	vld.idx.msk [tilespmem:v6+s14+$0x0], $0xffff  }
0x65: {  	v27 =	vld.idx.msk [tilespmem:v6+s15+$0x0], $0xffff  }
0x66: {  	v28 =	vld.idx.msk [tilespmem:v19+s15+$0x0], $0xffff  }
0x67: {  	v9 =	vmul.f32 v11, v9;
	v54 =	vmul.f32 v52, v51;
	v6 =	vld.idx.msk [tilespmem:v6+s16+$0x0], $0xffff  }
0x68: {  	v55 =	vld.idx.msk [tilespmem:v13+s15+$0x0], $0xffff;
	v14 =	vmul.f32 v16, v14;
	v8 =	vmul.f32 v8, v25  }
0x69: {  	v56 =	vld.idx.msk [tilespmem:v19+s16+$0x0], $0xffff;
	v17 =	vmul.f32 v17, v20;
	v11 =	vmul.f32 v15, v54  }
0x6a: {  	v8 =	vmul.f32 v24, v8;
	v57 =	vmul.f32 v27, v26  }
0x6b: {  	v58 =	vld.idx.msk [tilespmem:v13+s16+$0x0], $0xffff;
	v59 =	vmul.f32 v28, v23;
	v7 =	vmul.f32 v7, v17  }
0x6c: {  	v60 =	vadd.f32 v11, v12;
	v8 =	vadd.f32 v8, v10;
	v6 =	vmul.f32 v6, v57  }
0x6d: {  	v5 =	vmul.f32 v5, v14;
	v61 =	vmul.f32 v55, v53  }
0x6e: {  	v62 =	vmul.f32 v56, v59;
	v7 =	vadd.f32 v7, v60;
	v6 =	vadd.f32 v6, v8  }
0x6f: {  	v4 =	vmul.f32 v4, v9  }
0x70: {  	v63 =	vmul.f32 v58, v61;
	v5 =	vadd.f32 v5, v7;
	v6 =	vadd.f32 v62, v6;
	_ =	sdelay $0x1  }
0x71: {  	v4 =	vadd.f32 v4, v5;
	v6 =	vadd.f32 v63, v6;
	_ =	sdelay $0x1  }
0x72: {  	v4 =	vadd.f32 v4, v6;
	_ =	sdelay $0x1  }
0x73: {  	v4 =	vsub.f32 $0.0e+00, v4;
	_ =	sdelay $0x1  }
0x74: {  	v4 =	vmul.f32 $1.442695020e+00, v4;
	_ =	sdelay $0x1  }
0x75: {  	(erf) = vpow2.f32 v4;
	_ =	sdelay $0x8  }
0x76: {  	v4 =	vpop (erf)  }
0x77: {  	v4 =	vadd.f32 $1.000000000e+00, v4;
	_ =	sdelay $0x1  }
0x78: {  	(erf) = vrcp.f32 v4;
	_ =	sdelay $0x3  }
0x79: {  	s28 =	sadd.s32 $0x1, s28  }
0x7a: {  	p0 =	sne.s32 s28, $0x5  }
.Ltmp1:
0x7b: {  	_ = 	snop;
	(pc) =	sbr.rel @p0 .LBB2_3-.Ltmp1, $3  }
0x7c: {  	_ =	sdelay $0x1  }
0x7d: {  	v4 =	vpop (erf)  }
0x7e: {  	[tilespmem:v3+s29+$0x0 ss:$0x1] =	vst.idx.msk $0xffff, v4  }
0x7f: {  	s1 =	sadd.s32 $0xA0, s26  }
0x80: {  	[tilespmem:s14], [sflag:$0x1] =	stream.indirect.gather [hbm4b:s0+s13], $0x80, s1, s13, $0xb8;
	[tilespmem:$0x18C40] =	vst v63  }
0x81: {  	s29 =	sadd.s32 $0x27B0, s26  }
0x82: {  	[tilespmem:s15], [sflag:$0x1] =	stream.indirect.gather [hbm4b:s0+s13], $0x80, s29, s13, $0xb8;
	[tilespmem:$0x18C40] =	vst v63  }
0x83: {  	s30 =	sadd.s32 $0x4EC0, s26  }
0x84: {  	[tilespmem:s16], [sflag:$0x1] =	stream.indirect.gather [hbm4b:s3+s13], $0x80, s30, s13, $0xb8;
	[tilespmem:$0x18C40] =	vst v63  }
0x85: {  	_ =	swait.ge [sflag:s21], $0x2800  }
0x86: {  	[sflag:s21] =	ssyncset.done $0x0  }
0x87: {  	[sflag:s21] =	ssyncadd.s32 $0xFFFFD800  }
0x88: {  	_ =	swait.ge [sflag:s21], $0x2800  }
0x89: {  	[sflag:s21] =	ssyncset.done $0x0  }
0x8a: {  	[sflag:s21] =	ssyncadd.s32 $0xFFFFD800  }
0x8b: {  	_ =	swait.ge [sflag:s21], $0x2800  }
0x8c: {  	s31 =	sadd.s32 $0x7530, s25;
	[sflag:s21] =	ssyncset.done $0x0  }
0x8d: {  	s25 =	simm.s32 $0x0;
	v3 =	vmov s31;
	[sflag:s21] =	ssyncadd.s32 $0xFFFFD800  }
.LBB2_7:
0x8e: {  	s26 =	sshll.u32 s25, $0x4  }
0x8f: {  	s28 =	simm.s32 $0x7;
	v4 =	vmov s26  }
0x90: {  	v5 =	vadd.s32 s28, v0;
	v4 =	vshll.u32 v4, $0x7  }
0x91: {  	v6 =	vor.u32 v1, v4;
	v4 =	vand.u32 $0x7F, v5  }
0x92: {  	s2 =	simm.s32 $0x3;
	v5 =	vor.u32 v6, v4  }
0x93: {  	s1 =	simm.s32 $0x5;
	v7 =	vadd.s32 s2, v0  }
0x94: {  	v7 =	vand.u32 $0x7F, v7;
	v4 =	vadd.s32 s1, v0  }
0x95: {  	v17 =	vor.u32 v6, v7;
	v4 =	vand.u32 $0x7F, v4  }
0x96: {  	v12 =	vor.u32 v6, v4  }
0x97: {  	s22 =	simm.s32 $0x1;
	v4 =	vld.idx.msk [tilespmem:v5+s19+$0x0], $0xffff  }
0x98: {  	v7 =	vadd.s32 s22, v0;
	v9 =	vld.idx.msk [tilespmem:v5+s17+$0x0], $0xffff  }
0x99: {  	v7 =	vand.u32 $0x7F, v7;
	v11 =	vld.idx.msk [tilespmem:v5+s18+$0x0], $0xffff  }
0x9a: {  	v18 =	vor.u32 v6, v7;
	v7 =	vld.idx.msk [tilespmem:v17+s19+$0x0], $0xffff  }
0x9b: {  	s30 =	simm.s32 $0x6;
	v5 =	vld.idx.msk [tilespmem:v12+s19+$0x0], $0xffff  }
0x9c: {  	v10 =	vimm.f32 $0.0e+00;
	s31 =	simm.s32 $0x0;
	v13 =	vadd.s32 s30, v0;
	s22 =	simm.s32 $0x4;
	v14 =	vld.idx.msk [tilespmem:v12+s17+$0x0], $0xffff  }
0x9d: {  	v15 =	vadd.s32 s31, v0;
	v19 =	vadd.s32 s22, v0;
	v16 =	vld.idx.msk [tilespmem:v12+s18+$0x0], $0xffff;
	v12 =	vand.u32 $0x7F, v13  }
0x9e: {  	v21 =	vand.u32 $0x78, v15;
	v19 =	vand.u32 $0x7F, v19;
	v20 =	vld.idx.msk [tilespmem:v17+s17+$0x0], $0xffff;
	v13 =	vor.u32 v6, v12  }
0x9f: {  	s29 =	simm.s32 $0xF;
	v8 =	vor.u32 v2, v6;
	v19 =	vor.u32 v6, v19;
	v15 =	vld.idx.msk [tilespmem:v18+s19+$0x0], $0xffff;
	v12 =	vimm.f32 $0.0e+00  }
.LBB2_8:
0xa0: {  	p0 =	sne.s32 s29, $0x7F;
	v21 =	vor.u32 v21, v8;
	s1 =	sadd.s32 $0xFFFFFFFB, s28;
	v17 =	vld.idx.msk [tilespmem:v17+s18+$0x0], $0xffff;
	s28 =	smov.u32 s29  }
0xa1: {  	v22 =	vld.idx.msk [tilespmem:v18+s17+$0x0], $0xffff;
	v23 =	vadd.s32 s1, v0  }
0xa2: {  	v18 =	vld.idx.msk [tilespmem:v18+s18+$0x0], $0xffff;
	v23 =	vand.u32 $0x7F, v23  }
0xa3: {  	v23 =	vor.u32 v6, v23;
	v24 =	vld.idx.msk [tilespmem:v13+s17+$0x0], $0xffff  }
0xa4: {  	v25 =	vld.idx.msk [tilespmem:v19+s17+$0x0], $0xffff  }
0xa5: {  	v26 =	vld.idx.msk [tilespmem:v21+s19+$0x0], $0xffff  }
0xa6: {  	v27 =	vld.idx.msk [tilespmem:v21+s17+$0x0], $0xffff  }
0xa7: {  	v28 =	vadd.s32 s29, v0;
	v21 =	vld.idx.msk [tilespmem:v21+s18+$0x0], $0xffff  }
0xa8: {  	v28 =	vand.u32 $0x7F, v28;
	v29 =	vld.idx.msk [tilespmem:v23+s17+$0x0], $0xffff  }
0xa9: {  	s2 =	sadd.s32 $0xFFFFFFFE, s29;
	s1 =	sadd.s32 $0xFFFFFFFC, s29;
	v28 =	vor.u32 v6, v28;
	v30 =	vld.idx.msk [tilespmem:v23+s18+$0x0], $0xffff  }
0xaa: {  	s22 =	sadd.s32 $0xFFFFFFFA, s29;
	v32 =	vadd.s32 s2, v0;
	v31 =	vadd.s32 s1, v0;
	v33 =	vld.idx.msk [tilespmem:v19+s18+$0x0], $0xffff  }
0xab: {  	v9 =	vmul.f32 v11, v9;
	v34 =	vadd.s32 s22, v0;
	v32 =	vand.u32 $0x7F, v32;
	v23 =	vld.idx.msk [tilespmem:v23+s19+$0x0], $0xffff  }
0xac: {  	v14 =	vmul.f32 v16, v14;
	v11 =	vand.u32 $0x7F, v31;
	v18 =	vmul.f32 v18, v22;
	v16 =	vld.idx.msk [tilespmem:v13+s18+$0x0], $0xffff  }
0xad: {  	v20 =	vmul.f32 v17, v20;
	v22 =	vor.u32 v6, v32;
	v21 =	vmul.f32 v21, v27;
	v19 =	vld.idx.msk [tilespmem:v19+s19+$0x0], $0xffff  }
0xae: {  	v17 =	vor.u32 v6, v11;
	v15 =	vmul.f32 v15, v18;
	v27 =	vmul.f32 v4, v9;
	v4 =	vld.idx.msk [tilespmem:v28+s19+$0x0], $0xffff  }
0xaf: {  	v9 =	vand.u32 $0x7F, v34;
	v21 =	vmul.f32 v26, v21;
	v26 =	vmul.f32 v30, v29;
	v13 =	vld.idx.msk [tilespmem:v13+s19+$0x0], $0xffff  }
0xb0: {  	v20 =	vmul.f32 v7, v20;
	v18 =	vor.u32 v6, v9;
	v25 =	vmul.f32 v33, v25;
	v9 =	vld.idx.msk [tilespmem:v28+s17+$0x0], $0xffff  }
0xb1: {  	s1 =	sadd.s32 $0xFFFFFFFF, s29;
	v12 =	vadd.f32 v15, v12;
	v10 =	vadd.f32 v21, v10;
	v15 =	vmul.f32 v23, v26;
	v11 =	vld.idx.msk [tilespmem:v28+s18+$0x0], $0xffff  }
0xb2: {  	v21 =	vadd.s32 s1, v0;
	v23 =	vmul.f32 v5, v14;
	v24 =	vmul.f32 v16, v24;
	v5 =	vld.idx.msk [tilespmem:v22+s19+$0x0], $0xffff  }
.Ltmp2:
0xb3: {  	s2 =	sadd.s32 $0xFFFFFFFD, s29;
	v12 =	vadd.f32 v20, v12;
	s1 =	sadd.s32 $0xFFFFFFF9, s29;
	v10 =	vadd.f32 v15, v10;
	v15 =	vmul.f32 v19, v25;
	v7 =	vld.idx.msk [tilespmem:v17+s19+$0x0], $0xffff;
	(pc) =	sbr.rel @p0 .LBB2_8-.Ltmp2, $4  }
0xb4: {  	v20 =	vadd.s32 s2, v0;
	v19 =	vadd.s32 s1, v0;
	v25 =	vand.u32 $0x7F, v21;
	v14 =	vld.idx.msk [tilespmem:v22+s17+$0x0], $0xffff  }
0xb5: {  	v12 =	vadd.f32 v23, v12;
	v10 =	vadd.f32 v15, v10;
	v16 =	vld.idx.msk [tilespmem:v22+s18+$0x0], $0xffff;
	v22 =	vmul.f32 v13, v24  }
0xb6: {  	v21 =	vand.u32 $0x78, v19;
	v19 =	vand.u32 $0x7F, v20;
	v13 =	vor.u32 v6, v25;
	v15 =	vld.idx.msk [tilespmem:v18+s19+$0x0], $0xffff  }
0xb7: {  	s29 =	sadd.s32 $0x8, s29;
	v19 =	vor.u32 v6, v19;
	v12 =	vadd.f32 v27, v12;
	v20 =	vld.idx.msk [tilespmem:v17+s17+$0x0], $0xffff;
	v10 =	vadd.f32 v22, v10  }
0xb8: {  	_ =	sdelay $0x3  }
0xb9: {  	v8 =	vor.u32 v21, v8;
	s1 =	sadd.s32 $0xFFFFFFFB, s28;
	v17 =	vld.idx.msk [tilespmem:v17+s18+$0x0], $0xffff  }
0xba: {  	v51 =	vld.idx.msk [tilespmem:v18+s17+$0x0], $0xffff;
	v22 =	vadd.s32 s1, v0  }
0xbb: {  	v52 =	vld.idx.msk [tilespmem:v18+s18+$0x0], $0xffff;
	v22 =	vand.u32 $0x7F, v22  }
0xbc: {  	v53 =	vld.idx.msk [tilespmem:v13+s17+$0x0], $0xffff;
	v6 =	vor.u32 v6, v22  }
0xbd: {  	v23 =	vld.idx.msk [tilespmem:v19+s17+$0x0], $0xffff  }
0xbe: {  	v24 =	vld.idx.msk [tilespmem:v8+s19+$0x0], $0xffff  }
0xbf: {  	v25 =	vld.idx.msk [tilespmem:v8+s17+$0x0], $0xffff  }
0xc0: {  	v8 =	vld.idx.msk [tilespmem:v8+s18+$0x0], $0xffff  }
0xc1: {  	v26 =	vld.idx.msk [tilespmem:v6+s17+$0x0], $0xffff  }
0xc2: {  	v27 =	vld.idx.msk [tilespmem:v6+s18+$0x0], $0xffff  }
0xc3: {  	v28 =	vld.idx.msk [tilespmem:v19+s18+$0x0], $0xffff  }
0xc4: {  	v9 =	vmul.f32 v11, v9;
	v54 =	vmul.f32 v52, v51;
	v6 =	vld.idx.msk [tilespmem:v6+s19+$0x0], $0xffff  }
0xc5: {  	v55 =	vld.idx.msk [tilespmem:v13+s18+$0x0], $0xffff;
	v14 =	vmul.f32 v16, v14;
	v8 =	vmul.f32 v8, v25  }
0xc6: {  	v56 =	vld.idx.msk [tilespmem:v19+s19+$0x0], $0xffff;
	v17 =	vmul.f32 v17, v20;
	v11 =	vmul.f32 v15, v54  }
0xc7: {  	v8 =	vmul.f32 v24, v8;
	v57 =	vmul.f32 v27, v26  }
0xc8: {  	v58 =	vld.idx.msk [tilespmem:v13+s19+$0x0], $0xffff;
	v59 =	vmul.f32 v28, v23;
	v7 =	vmul.f32 v7, v17  }
0xc9: {  	v60 =	vadd.f32 v11, v12;
	v8 =	vadd.f32 v8, v10;
	v6 =	vmul.f32 v6, v57  }
0xca: {  	v5 =	vmul.f32 v5, v14;
	v61 =	vmul.f32 v55, v53  }
0xcb: {  	v62 =	vmul.f32 v56, v59;
	v7 =	vadd.f32 v7, v60;
	v6 =	vadd.f32 v6, v8  }
0xcc: {  	v4 =	vmul.f32 v4, v9  }
0xcd: {  	v63 =	vmul.f32 v58, v61;
	v5 =	vadd.f32 v5, v7;
	v6 =	vadd.f32 v62, v6;
	_ =	sdelay $0x1  }
0xce: {  	v4 =	vadd.f32 v4, v5;
	v6 =	vadd.f32 v63, v6;
	_ =	sdelay $0x1  }
0xcf: {  	v4 =	vadd.f32 v4, v6;
	_ =	sdelay $0x1  }
0xd0: {  	v4 =	vsub.f32 $0.0e+00, v4;
	_ =	sdelay $0x1  }
0xd1: {  	v4 =	vmul.f32 $1.442695020e+00, v4;
	_ =	sdelay $0x1  }
0xd2: {  	(erf) = vpow2.f32 v4;
	_ =	sdelay $0x8  }
0xd3: {  	v4 =	vpop (erf)  }
0xd4: {  	v4 =	vadd.f32 $1.000000000e+00, v4;
	_ =	sdelay $0x1  }
0xd5: {  	(erf) = vrcp.f32 v4;
	_ =	sdelay $0x3  }
0xd6: {  	s25 =	sadd.s32 $0x1, s25  }
0xd7: {  	p0 =	sne.s32 s25, $0x5  }
.Ltmp3:
0xd8: {  	_ = 	snop;
	(pc) =	sbr.rel @p0 .LBB2_7-.Ltmp3, $3  }
0xd9: {  	_ =	sdelay $0x1  }
0xda: {  	v4 =	vpop (erf)  }
0xdb: {  	[tilespmem:v3+s26+$0x0 ss:$0x1] =	vst.idx.msk $0xffff, v4  }
0xdc: {  	s24 =	sadd.s32 $0x1, s24  }
0xdd: {  	p0 =	sne.s32 s24, $0x3E  }
.Ltmp4:
0xde: {  	_ = 	snop;
	(pc) =	sbr.rel @p0 .LBB2_2-.Ltmp4, $1  }
0xdf: {  	_ =	sdelay $0x3  }
0xe0: {  	_ =	swait.ge [sflag:s20], $0x2800  }
0xe1: {  	[sflag:s20] =	ssyncset.done $0x0  }
0xe2: {  	[sflag:s20] =	ssyncadd.s32 $0xFFFFD800  }
0xe3: {  	_ =	swait.ge [sflag:s20], $0x2800  }
0xe4: {  	[sflag:s20] =	ssyncset.done $0x0  }
0xe5: {  	[sflag:s20] =	ssyncadd.s32 $0xFFFFD800  }
0xe6: {  	_ =	swait.ge [sflag:s20], $0x2800  }
0xe7: {  	[sflag:s20] =	ssyncset.done $0x0  }
0xe8: {  	s24 =	simm.s32 $0x0;
	[sflag:s20] =	ssyncadd.s32 $0xFFFFD800  }
.LBB2_12:
0xe9: {  	s25 =	sshll.u32 s24, $0x4  }
0xea: {  	s26 =	simm.s32 $0x7;
	v3 =	vmov s25  }
0xeb: {  	v4 =	vadd.s32 s26, v0;
	v3 =	vshll.u32 v3, $0x7  }
0xec: {  	v5 =	vor.u32 v1, v3;
	v3 =	vand.u32 $0x7F, v4  }
0xed: {  	s2 =	simm.s32 $0x3;
	v4 =	vor.u32 v5, v3  }
0xee: {  	s1 =	simm.s32 $0x5;
	v6 =	vadd.s32 s2, v0  }
0xef: {  	v6 =	vand.u32 $0x7F, v6;
	v3 =	vadd.s32 s1, v0  }
0xf0: {  	v16 =	vor.u32 v5, v6;
	v3 =	vand.u32 $0x7F, v3  }
0xf1: {  	v11 =	vor.u32 v5, v3  }
0xf2: {  	s29 =	simm.s32 $0x1;
	v3 =	vld.idx.msk [tilespmem:v4+s16+$0x0], $0xffff  }
0xf3: {  	v6 =	vadd.s32 s29, v0;
	v8 =	vld.idx.msk [tilespmem:v4+s14+$0x0], $0xffff  }
0xf4: {  	v6 =	vand.u32 $0x7F, v6;
	v10 =	vld.idx.msk [tilespmem:v4+s15+$0x0], $0xffff  }
0xf5: {  	v17 =	vor.u32 v5, v6;
	v6 =	vld.idx.msk [tilespmem:v16+s16+$0x0], $0xffff  }
0xf6: {  	s30 =	simm.s32 $0x6;
	v4 =	vld.idx.msk [tilespmem:v11+s16+$0x0], $0xffff  }
0xf7: {  	v9 =	vimm.f32 $0.0e+00;
	s31 =	simm.s32 $0x0;
	s22 =	simm.s32 $0x4;
	v12 =	vadd.s32 s30, v0;
	v13 =	vld.idx.msk [tilespmem:v11+s14+$0x0], $0xffff  }
0xf8: {  	v14 =	vadd.s32 s31, v0;
	v18 =	vadd.s32 s22, v0;
	v15 =	vld.idx.msk [tilespmem:v11+s15+$0x0], $0xffff;
	v11 =	vand.u32 $0x7F, v12  }
0xf9: {  	v20 =	vand.u32 $0x78, v14;
	v18 =	vand.u32 $0x7F, v18;
	v19 =	vld.idx.msk [tilespmem:v16+s14+$0x0], $0xffff;
	v12 =	vor.u32 v5, v11  }
0xfa: {  	s28 =	simm.s32 $0xF;
	v7 =	vor.u32 v2, v5;
	v18 =	vor.u32 v5, v18;
	v14 =	vld.idx.msk [tilespmem:v17+s16+$0x0], $0xffff;
	v11 =	vimm.f32 $0.0e+00  }
.LBB2_13:
0xfb: {  	p0 =	sne.s32 s28, $0x7F;
	v20 =	vor.u32 v20, v7;
	s1 =	sadd.s32 $0xFFFFFFFB, s26;
	v16 =	vld.idx.msk [tilespmem:v16+s15+$0x0], $0xffff;
	s26 =	smov.u32 s28  }
0xfc: {  	v21 =	vld.idx.msk [tilespmem:v17+s14+$0x0], $0xffff;
	v22 =	vadd.s32 s1, v0  }
0xfd: {  	v17 =	vld.idx.msk [tilespmem:v17+s15+$0x0], $0xffff;
	v22 =	vand.u32 $0x7F, v22  }
0xfe: {  	v22 =	vor.u32 v5, v22;
	v23 =	vld.idx.msk [tilespmem:v12+s14+$0x0], $0xffff  }
0xff: {  	v24 =	vld.idx.msk [tilespmem:v18+s14+$0x0], $0xffff  }
0x100: {  	v25 =	vld.idx.msk [tilespmem:v20+s16+$0x0], $0xffff  }
0x101: {  	v26 =	vld.idx.msk [tilespmem:v20+s14+$0x0], $0xffff  }
0x102: {  	v27 =	vadd.s32 s28, v0;
	v20 =	vld.idx.msk [tilespmem:v20+s15+$0x0], $0xffff  }
0x103: {  	v27 =	vand.u32 $0x7F, v27;
	v28 =	vld.idx.msk [tilespmem:v22+s14+$0x0], $0xffff  }
0x104: {  	s2 =	sadd.s32 $0xFFFFFFFE, s28;
	s1 =	sadd.s32 $0xFFFFFFFC, s28;
	v27 =	vor.u32 v5, v27;
	v29 =	vld.idx.msk [tilespmem:v22+s15+$0x0], $0xffff  }
0x105: {  	s22 =	sadd.s32 $0xFFFFFFFA, s28;
	v31 =	vadd.s32 s2, v0;
	v30 =	vadd.s32 s1, v0;
	v32 =	vld.idx.msk [tilespmem:v18+s15+$0x0], $0xffff  }
0x106: {  	v8 =	vmul.f32 v10, v8;
	v33 =	vadd.s32 s22, v0;
	v31 =	vand.u32 $0x7F, v31;
	v22 =	vld.idx.msk [tilespmem:v22+s16+$0x0], $0xffff  }
0x107: {  	v13 =	vmul.f32 v15, v13;
	v10 =	vand.u32 $0x7F, v30;
	v17 =	vmul.f32 v17, v21;
	v15 =	vld.idx.msk [tilespmem:v12+s15+$0x0], $0xffff  }
0x108: {  	v19 =	vmul.f32 v16, v19;
	v21 =	vor.u32 v5, v31;
	v20 =	vmul.f32 v20, v26;
	v18 =	vld.idx.msk [tilespmem:v18+s16+$0x0], $0xffff  }
0x109: {  	v16 =	vor.u32 v5, v10;
	v14 =	vmul.f32 v14, v17;
	v26 =	vmul.f32 v3, v8;
	v3 =	vld.idx.msk [tilespmem:v27+s16+$0x0], $0xffff  }
0x10a: {  	v8 =	vand.u32 $0x7F, v33;
	v20 =	vmul.f32 v25, v20;
	v25 =	vmul.f32 v29, v28;
	v12 =	vld.idx.msk [tilespmem:v12+s16+$0x0], $0xffff  }
0x10b: {  	v19 =	vmul.f32 v6, v19;
	v17 =	vor.u32 v5, v8;
	v24 =	vmul.f32 v32, v24;
	v8 =	vld.idx.msk [tilespmem:v27+s14+$0x0], $0xffff  }
0x10c: {  	s1 =	sadd.s32 $0xFFFFFFFF, s28;
	v11 =	vadd.f32 v14, v11;
	v9 =	vadd.f32 v20, v9;
	v14 =	vmul.f32 v22, v25;
	v10 =	vld.idx.msk [tilespmem:v27+s15+$0x0], $0xffff  }
0x10d: {  	v20 =	vadd.s32 s1, v0;
	v22 =	vmul.f32 v4, v13;
	v23 =	vmul.f32 v15, v23;
	v4 =	vld.idx.msk [tilespmem:v21+s16+$0x0], $0xffff  }
.Ltmp5:
0x10e: {  	s2 =	sadd.s32 $0xFFFFFFFD, s28;
	v11 =	vadd.f32 v19, v11;
	s1 =	sadd.s32 $0xFFFFFFF9, s28;
	v9 =	vadd.f32 v14, v9;
	v14 =	vmul.f32 v18, v24;
	v6 =	vld.idx.msk [tilespmem:v16+s16+$0x0], $0xffff;
	(pc) =	sbr.rel @p0 .LBB2_13-.Ltmp5, $4  }
0x10f: {  	v19 =	vadd.s32 s2, v0;
	v18 =	vadd.s32 s1, v0;
	v24 =	vand.u32 $0x7F, v20;
	v13 =	vld.idx.msk [tilespmem:v21+s14+$0x0], $0xffff  }
0x110: {  	v11 =	vadd.f32 v22, v11;
	v9 =	vadd.f32 v14, v9;
	v15 =	vld.idx.msk [tilespmem:v21+s15+$0x0], $0xffff;
	v21 =	vmul.f32 v12, v23  }
0x111: {  	v20 =	vand.u32 $0x78, v18;
	v18 =	vand.u32 $0x7F, v19;
	v12 =	vor.u32 v5, v24;
	v14 =	vld.idx.msk [tilespmem:v17+s16+$0x0], $0xffff  }
0x112: {  	s28 =	sadd.s32 $0x8, s28;
	v18 =	vor.u32 v5, v18;
	v11 =	vadd.f32 v26, v11;
	v19 =	vld.idx.msk [tilespmem:v16+s14+$0x0], $0xffff;
	v9 =	vadd.f32 v21, v9  }
0x113: {  	_ =	sdelay $0x3  }
0x114: {  	v7 =	vor.u32 v20, v7;
	s1 =	sadd.s32 $0xFFFFFFFB, s26;
	v16 =	vld.idx.msk [tilespmem:v16+s15+$0x0], $0xffff  }
0x115: {  	v51 =	vld.idx.msk [tilespmem:v17+s14+$0x0], $0xffff;
	v21 =	vadd.s32 s1, v0  }
0x116: {  	v52 =	vld.idx.msk [tilespmem:v17+s15+$0x0], $0xffff;
	v21 =	vand.u32 $0x7F, v21  }
0x117: {  	v53 =	vld.idx.msk [tilespmem:v12+s14+$0x0], $0xffff;
	v5 =	vor.u32 v5, v21  }
0x118: {  	v22 =	vld.idx.msk [tilespmem:v18+s14+$0x0], $0xffff  }
0x119: {  	v23 =	vld.idx.msk [tilespmem:v7+s16+$0x0], $0xffff  }
0x11a: {  	v24 =	vld.idx.msk [tilespmem:v7+s14+$0x0], $0xffff  }
0x11b: {  	v7 =	vld.idx.msk [tilespmem:v7+s15+$0x0], $0xffff  }
0x11c: {  	v25 =	vld.idx.msk [tilespmem:v5+s14+$0x0], $0xffff  }
0x11d: {  	v26 =	vld.idx.msk [tilespmem:v5+s15+$0x0], $0xffff  }
0x11e: {  	v27 =	vld.idx.msk [tilespmem:v18+s15+$0x0], $0xffff  }
0x11f: {  	v8 =	vmul.f32 v10, v8;
	v54 =	vmul.f32 v52, v51;
	v5 =	vld.idx.msk [tilespmem:v5+s16+$0x0], $0xffff  }
0x120: {  	v55 =	vld.idx.msk [tilespmem:v12+s15+$0x0], $0xffff;
	v13 =	vmul.f32 v15, v13;
	v7 =	vmul.f32 v7, v24  }
0x121: {  	v56 =	vld.idx.msk [tilespmem:v18+s16+$0x0], $0xffff;
	v16 =	vmul.f32 v16, v19;
	v10 =	vmul.f32 v14, v54  }
0x122: {  	v7 =	vmul.f32 v23, v7;
	v57 =	vmul.f32 v26, v25  }
0x123: {  	v58 =	vld.idx.msk [tilespmem:v12+s16+$0x0], $0xffff;
	v59 =	vmul.f32 v27, v22;
	v6 =	vmul.f32 v6, v16  }
0x124: {  	v60 =	vadd.f32 v10, v11;
	v7 =	vadd.f32 v7, v9;
	v5 =	vmul.f32 v5, v57  }
0x125: {  	v4 =	vmul.f32 v4, v13;
	v61 =	vmul.f32 v55, v53  }
0x126: {  	v62 =	vmul.f32 v56, v59;
	v6 =	vadd.f32 v6, v60;
	v5 =	vadd.f32 v5, v7  }
0x127: {  	v3 =	vmul.f32 v3, v8  }
0x128: {  	v63 =	vmul.f32 v58, v61;
	v4 =	vadd.f32 v4, v6;
	v5 =	vadd.f32 v62, v5;
	_ =	sdelay $0x1  }
0x129: {  	v3 =	vadd.f32 v3, v4;
	v5 =	vadd.f32 v63, v5;
	_ =	sdelay $0x1  }
0x12a: {  	v3 =	vadd.f32 v3, v5;
	_ =	sdelay $0x1  }
0x12b: {  	v3 =	vsub.f32 $0.0e+00, v3;
	_ =	sdelay $0x1  }
0x12c: {  	v3 =	vmul.f32 $1.442695020e+00, v3;
	_ =	sdelay $0x1  }
0x12d: {  	(erf) = vpow2.f32 v3;
	_ =	sdelay $0x8  }
0x12e: {  	v3 =	vpop (erf)  }
0x12f: {  	v3 =	vadd.f32 $1.000000000e+00, v3;
	_ =	sdelay $0x1  }
0x130: {  	(erf) = vrcp.f32 v3;
	_ =	sdelay $0x3  }
0x131: {  	s24 =	sadd.s32 $0x1, s24  }
0x132: {  	p0 =	sne.s32 s24, $0x5  }
.Ltmp6:
0x133: {  	_ = 	snop;
	(pc) =	sbr.rel @p0 .LBB2_12-.Ltmp6, $3  }
0x134: {  	_ =	sdelay $0x1  }
0x135: {  	v3 =	vpop (erf)  }
0x136: {  	[tilespmem:s25+$0x9BF0] =	vst v3  }
0x137: {  	s23 =	sadd.s32 $0x1, s23  }
0x138: {  	p0 =	sne.s32 s23, s9  }
.Ltmp7:
0x139: {  	s1 =	simm.s32 $0x7530;
	(pc) =	sbr.rel @p0 .LBB2_1-.Ltmp7, $4  }
0x13a: {  	[hbm4b:s8+s4] =	stream.linear.scatter [tilespmem:s1], [sflag:$0x3], $0x2710, $0x38;
	[tilespmem:$0x18C40] =	vst v63  }
0x13b: {  	_ =	swait.ge [sflag:s10], $0x2710  }
0x13c: {  	[sflag:s10] =	ssyncset.done $0x0  }
0x13d: {  	[sflag:s10] =	ssyncadd.s32 $0xFFFFD8F0  }
0x13e: {  	_ =	sfence.sel $0x180000  }
0x13f: {  	[bflag:$0x0] =	sbarrier.arrive $0xFFFF  }
0x140: {  	_ =	strace $0x90000047  }
0x141: {  	s0 =	stileid.u32;
	[bflag:$0x2] =	sbarrier.arrive $0xFFFF  }
0x142: {  	p0 =	sne.s32 s0, $0x0;
	s0 =	rddreg [dreg:$0x6]  }
0x143: {  	s0 =	sadd.s32 @!p0 $0x100000, s0  }
0x144: {  	[sflag:s0] =	ssyncadd.tile.s32 @!p0 $0x1;
	_ =	shalt  }
.Lfunc_end2:
_tile_overlayer_lowered:
.L_overlay_start_2:
0x145: {  	(tag) =	ssettag $0x2  }
0x146: {  	s0 =	rddreg [dreg:$0x0];
	s2 =	stileid.u32  }
0x147: {  	s1 =	rddreg [dreg:$0x1];
	p0 =	sne.s32 s2, $0x0  }
0x148: {  	s3 =	rddreg [dreg:$0x2];
	[bflag:$0x3] =	sbarrier.arrive $0xFFFF;
	s2 =	simm.s32 @!p0 $0x1C03  }
0x149: {  	[timem:s3], [sflag:s2] =	dma.local @!p0 [hbm:s0], s1  }
0x14a: {  	s0 =	simm.s32 @!p0 $0x3  }
0x14b: {  	_ =	swait.ge @!p0 [sflag:s0], s1  }
0x14c: {  	s1 =	ssub.s32 @!p0 $0x0, s1;
	[sflag:s0] =	ssyncset.done @!p0 $0x0  }
0x14d: {  	[sflag:s0] =	ssyncadd.s32 @!p0 s1  }
0x14e: {  	[bflag:$0x3] =	sbarrier.arrive $0xFFFF  }
0x14f: {  	_ =	shalt  }

</sc_bundles>
